<compile_context>
chip_gen: v7x
topology: tpu7x:2x2x1
jax: 0.10.2.dev20260603
libtpu: 0.0.44.dev20260713+nightly
codegen_flags: <defaults>
</compile_context>

<pallas_src>
import functools

import jax
import jax.numpy as jnp
from jax import lax
from jax.experimental import pallas as pl
from jax.experimental.pallas import tpu as pltpu
from jax.experimental.pallas import tpu_sc as plsc

N0, N1, N2 = 10000, 5000, 2000
E0, E1 = 160000, 64000
IN_DIM, PROMPT, HID, OUT = 128, 64, 128, 64

NC, NS = 2, 16
NW = NC * NS
CHUNK = 128
NBUF = 2


def _make_seg_sum(n_chunks: int, npad: int):
  e_pw = n_chunks * CHUNK
  rows_ps = npad // NS
  assert npad % NS == 0

  mesh = plsc.VectorSubcoreMesh(core_axis_name="c", subcore_axis_name="s")

  @functools.partial(
      pl.kernel,
      mesh=mesh,
      compiler_params=pltpu.CompilerParams(needs_layout_passes=False),
      out_type=[
          jax.ShapeDtypeStruct((NC, npad, HID), jnp.float32),
          jax.ShapeDtypeStruct((NC, npad), jnp.float32),
      ],
      scratch_types=[
          pltpu.VMEM((NBUF, CHUNK), jnp.int32),
          pltpu.VMEM((NBUF, CHUNK), jnp.int32),
          [pltpu.VMEM((CHUNK, HID), jnp.float32)] * NBUF,
          pltpu.VMEM((npad,), jnp.float32),
          pltpu.VMEM((NS, rows_ps), jnp.float32),
          pltpu.VMEM((rows_ps,), jnp.float32),
          pltpu.VMEM_SHARED((npad, HID), jnp.float32),
          pltpu.VMEM_SHARED((NS, npad), jnp.float32),
          [pltpu.SemaphoreType.DMA] * NBUF,
      ],
  )
  def seg_sum(table, src, dst, zrows, zcnt, acc_out, cnt_out,
              src_v, dst_v, rows_v, cnt_loc, red_v, cnt_red, acc_sh,
              cnt_stage, sems):
    cid = lax.axis_index("c")
    sid = lax.axis_index("s")
    wid = sid * NC + cid

    r0 = sid * rows_ps
    pltpu.sync_copy(zrows, acc_sh.at[pl.ds(r0, rows_ps)])
    pltpu.sync_copy(zcnt, cnt_loc)
    plsc.subcore_barrier()

    base = wid * e_pw
    ones16 = jnp.ones((16,), jnp.float32)

    def load_and_fire(ci, b):
      off = base + ci * CHUNK
      pltpu.sync_copy(src.at[pl.ds(off, CHUNK)], src_v.at[b])
      pltpu.sync_copy(dst.at[pl.ds(off, CHUNK)], dst_v.at[b])
      pltpu.async_copy(table.at[src_v.at[b]], rows_v[b], sems[b])

    def drain(b):
      pltpu.make_async_copy(table.at[src_v.at[b]], rows_v[b], sems[b]).wait()
      pltpu.sync_copy(rows_v[b], acc_sh.at[dst_v.at[b]], add=True)
      for j in range(CHUNK // 16):
        idx = dst_v[b, pl.ds(j * 16, 16)]
        plsc.addupdate_scatter(cnt_loc, [idx], ones16)

    load_and_fire(0, 0)
    n2 = n_chunks // 2

    def body(i2, carry):
      i = 2 * i2
      load_and_fire(i + 1, 1)
      drain(0)

      @pl.when(i2 + 1 < n2)
      def _prefetch():
        load_and_fire(i + 2, 0)

      drain(1)
      return carry

    lax.fori_loop(0, n2, body, 0)
    pltpu.sync_copy(cnt_loc, cnt_stage.at[sid])
    plsc.subcore_barrier()

    pltpu.sync_copy(cnt_stage.at[:, pl.ds(r0, rows_ps)], red_v)

    def red_body(j, carry):
      s = red_v[0, pl.ds(j * 16, 16)]
      for t in range(1, NS):
        s = s + red_v[t, pl.ds(j * 16, 16)]
      cnt_red[pl.ds(j * 16, 16)] = s
      return carry

    lax.fori_loop(0, rows_ps // 16, red_body, 0)

    pltpu.sync_copy(acc_sh.at[pl.ds(r0, rows_ps)],
                    acc_out.at[cid].at[pl.ds(r0, rows_ps)])
    pltpu.sync_copy(cnt_red, cnt_out.at[cid].at[pl.ds(r0, rows_ps)])

  return seg_sum


N1_PAD = 6144
N2_PAD = 2048
L1_CHUNKS = 40
L2_CHUNKS = 16

_seg_sum_l1 = _make_seg_sum(L1_CHUNKS, N1_PAD)
_seg_sum_l2 = _make_seg_sum(L2_CHUNKS, N2_PAD)


BLK = 1000


def _prompt_body(x_ref, m_ref, wpin_ref, bpin_ref, wpout_ref, bpout_ref,
                 wn1_ref, ws1_ref, b1_ref, g0_ref, s1_ref):
  x = x_ref[...]
  pin = jnp.maximum(
      jnp.dot(x, wpin_ref[...], preferred_element_type=jnp.float32)
      + bpin_ref[...], 0.0)
  pout = jnp.maximum(
      jnp.dot(x, wpout_ref[...], preferred_element_type=jnp.float32)
      + bpout_ref[...], 0.0)
  s = jnp.where(m_ref[...] > 0, pin, pout)
  g0_ref[...] = (
      jnp.dot(x, wn1_ref[0:IN_DIM], preferred_element_type=jnp.float32)
      + jnp.dot(s, wn1_ref[IN_DIM:IN_DIM + PROMPT],
                preferred_element_type=jnp.float32))
  s1_ref[...] = (
      jnp.dot(x, ws1_ref[0:IN_DIM], preferred_element_type=jnp.float32)
      + jnp.dot(s, ws1_ref[IN_DIM:IN_DIM + PROMPT],
                preferred_element_type=jnp.float32)
      + b1_ref[...])


def _layer1_body(acc_ref, cnt_ref, s1_ref, wn2_ref, ws2_ref, b2_ref,
                 g1_ref, s2_ref):
  a = acc_ref[0] + acc_ref[1]
  d = cnt_ref[0] + cnt_ref[1]
  h1 = jnp.maximum(s1_ref[...] + a / jnp.maximum(d, 1.0), 0.0)
  g1_ref[...] = jnp.dot(h1, wn2_ref[...], preferred_element_type=jnp.float32)
  s2_ref[...] = (jnp.dot(h1, ws2_ref[...], preferred_element_type=jnp.float32)
                 + b2_ref[...])


def _layer2_body(acc_ref, cnt_ref, s2_ref, wc_ref, bc_ref, out_ref):
  a = acc_ref[0] + acc_ref[1]
  d = cnt_ref[0] + cnt_ref[1]
  h2 = s2_ref[...] + a / jnp.maximum(d, 1.0)
  out_ref[...] = (jnp.dot(h2, wc_ref[...], preferred_element_type=jnp.float32)
                  + bc_ref[...])


def _full(shape):
  return pl.BlockSpec(shape, lambda i: (0,) * len(shape))


def kernel(features, membership_mask, block0_src, block0_dst, block1_src,
           block1_dst, output_nodes_indices, W_pin, b_pin, W_pout, b_pout,
           Ws1, Wn1, b1, Ws2, Wn2, b2, Wc, bc):
  del output_nodes_indices
  f32 = jnp.float32
  mask_i = membership_mask.astype(jnp.int32).reshape(N0, 1)

  g0, s1 = pl.pallas_call(
      _prompt_body,
      grid=(N0 // BLK,),
      in_specs=[
          pl.BlockSpec((BLK, IN_DIM), lambda i: (i, 0)),
          pl.BlockSpec((BLK, 1), lambda i: (i, 0)),
          _full((IN_DIM, PROMPT)),
          _full((1, PROMPT)),
          _full((IN_DIM, PROMPT)),
          _full((1, PROMPT)),
          _full((IN_DIM + PROMPT, HID)),
          _full((IN_DIM + PROMPT, HID)),
          _full((1, HID)),
      ],
      out_specs=[
          pl.BlockSpec((BLK, HID), lambda i: (i, 0)),
          pl.BlockSpec((BLK, HID), lambda i: (i, 0)),
      ],
      out_shape=[
          jax.ShapeDtypeStruct((N0, HID), f32),
          jax.ShapeDtypeStruct((N0, HID), f32),
      ],
  )(features, mask_i, W_pin, b_pin.reshape(1, PROMPT), W_pout,
    b_pout.reshape(1, PROMPT), Wn1, Ws1, b1.reshape(1, HID))

  e0_pad = NW * L1_CHUNKS * CHUNK
  src0 = jnp.concatenate([block0_src, jnp.zeros((e0_pad - E0,), jnp.int32)])
  dst0 = jnp.concatenate([block0_dst, jnp.full((e0_pad - E0,), N1, jnp.int32)])
  zrows1 = jnp.zeros((N1_PAD // NS, HID), f32)
  zcnt1 = jnp.zeros((N1_PAD,), f32)
  acc1, cnt1 = _seg_sum_l1(g0, src0, dst0, zrows1, zcnt1)
  cnt1 = cnt1.reshape(NC, N1_PAD, 1)

  g1, s2 = pl.pallas_call(
      _layer1_body,
      grid=(N1 // BLK,),
      in_specs=[
          pl.BlockSpec((NC, BLK, HID), lambda i: (0, i, 0)),
          pl.BlockSpec((NC, BLK, 1), lambda i: (0, i, 0)),
          pl.BlockSpec((BLK, HID), lambda i: (i, 0)),
          _full((HID, HID)),
          _full((HID, HID)),
          _full((1, HID)),
      ],
      out_specs=[
          pl.BlockSpec((BLK, HID), lambda i: (i, 0)),
          pl.BlockSpec((BLK, HID), lambda i: (i, 0)),
      ],
      out_shape=[
          jax.ShapeDtypeStruct((N1, HID), f32),
          jax.ShapeDtypeStruct((N1, HID), f32),
      ],
  )(acc1, cnt1, s1, Wn2, Ws2, b2.reshape(1, HID))

  e1_pad = NW * L2_CHUNKS * CHUNK
  src1 = jnp.concatenate([block1_src, jnp.zeros((e1_pad - E1,), jnp.int32)])
  dst1 = jnp.concatenate([block1_dst, jnp.full((e1_pad - E1,), N2, jnp.int32)])
  zrows2 = jnp.zeros((N2_PAD // NS, HID), f32)
  zcnt2 = jnp.zeros((N2_PAD,), f32)
  acc2, cnt2 = _seg_sum_l2(g1, src1, dst1, zrows2, zcnt2)
  cnt2 = cnt2.reshape(NC, N2_PAD, 1)

  logits = pl.pallas_call(
      _layer2_body,
      grid=(N2 // BLK,),
      in_specs=[
          pl.BlockSpec((NC, BLK, HID), lambda i: (0, i, 0)),
          pl.BlockSpec((NC, BLK, 1), lambda i: (0, i, 0)),
          pl.BlockSpec((BLK, HID), lambda i: (i, 0)),
          _full((HID, OUT)),
          _full((1, OUT)),
      ],
      out_specs=pl.BlockSpec((BLK, OUT), lambda i: (i, 0)),
      out_shape=jax.ShapeDtypeStruct((N2, OUT), f32),
  )(acc2, cnt2, s2, Wc, bc.reshape(1, OUT))

  return logits

# --- scband reference (transcript-rebuilt; emitter-appended) ---
"""Pipeline reference for scband-gnnwith-prompt-31860067402230 (READ-ONLY COPY).

The authoritative reference and input builder live on the scoring server;
editing this copy changes nothing except your own understanding.
"""

import jax, jax.numpy as jnp
import numpy as np

N0, N1, N2 = 10000, 5000, 2000
E0, E1 = 160000, 64000
IN_DIM, PROMPT, HID, OUT = 128, 64, 128, 64


def _seg_mean(msgs, dst, num_segments):
    s = jax.ops.segment_sum(msgs, dst, num_segments=num_segments)
    d = jax.ops.segment_sum(jnp.ones((dst.shape[0], 1), msgs.dtype), dst, num_segments=num_segments)
    return s / jnp.maximum(d, 1.0)


def setup_inputs(seed: int = 0) -> dict:
    key = jax.random.key(seed)
    ks = jax.random.split(key, 24)
    features = jax.random.normal(ks[0], (N0, IN_DIM), dtype=jnp.float32)
    membership_mask = jax.random.randint(ks[1], (N0,), 0, 2) > 0
    block0_src = jax.random.randint(ks[2], (E0,), 0, N0, dtype=jnp.int32)
    block0_dst = jax.random.randint(ks[3], (E0,), 0, N1, dtype=jnp.int32)
    block1_src = jax.random.randint(ks[4], (E1,), 0, N1, dtype=jnp.int32)
    block1_dst = jax.random.randint(ks[5], (E1,), 0, N2, dtype=jnp.int32)
    output_nodes_indices = jax.random.randint(ks[6], (N2,), 0, N2, dtype=jnp.int32)
    GIN = IN_DIM + PROMPT
    W_pin = jax.random.normal(ks[7], (IN_DIM, PROMPT), jnp.float32) / np.sqrt(IN_DIM)
    b_pin = jnp.zeros((PROMPT,), jnp.float32)
    W_pout = jax.random.normal(ks[8], (IN_DIM, PROMPT), jnp.float32) / np.sqrt(IN_DIM)
    b_pout = jnp.zeros((PROMPT,), jnp.float32)
    Ws1 = jax.random.normal(ks[9], (GIN, HID), jnp.float32) / np.sqrt(GIN)
    Wn1 = jax.random.normal(ks[10], (GIN, HID), jnp.float32) / np.sqrt(GIN)
    b1 = jnp.zeros((HID,), jnp.float32)
    Ws2 = jax.random.normal(ks[11], (HID, HID), jnp.float32) / np.sqrt(HID)
    Wn2 = jax.random.normal(ks[12], (HID, HID), jnp.float32) / np.sqrt(HID)
    b2 = jnp.zeros((HID,), jnp.float32)
    Wc = jax.random.normal(ks[13], (HID, OUT), jnp.float32) / np.sqrt(HID)
    bc = jnp.zeros((OUT,), jnp.float32)
    return {
        'features': features, 'membership_mask': membership_mask,
        'block0_src': block0_src, 'block0_dst': block0_dst,
        'block1_src': block1_src, 'block1_dst': block1_dst,
        'output_nodes_indices': output_nodes_indices,
        'W_pin': W_pin, 'b_pin': b_pin, 'W_pout': W_pout, 'b_pout': b_pout,
        'Ws1': Ws1, 'Wn1': Wn1, 'b1': b1,
        'Ws2': Ws2, 'Wn2': Wn2, 'b2': b2,
        'Wc': Wc, 'bc': bc,
    }


def reference(features, membership_mask, block0_src, block0_dst, block1_src, block1_dst,
              output_nodes_indices, W_pin, b_pin, W_pout, b_pout,
              Ws1, Wn1, b1, Ws2, Wn2, b2, Wc, bc):
    # prompt branches
    pf_in = jax.nn.relu(features @ W_pin + b_pin)
    pf_out = jax.nn.relu(features @ W_pout + b_pout)
    selected = jnp.where(membership_mask[:, None], pf_in, pf_out)
    h = jnp.concatenate([features, selected], axis=1)  # [N0, IN_DIM+PROMPT]
    # SAGEConv layer 1 (mean aggregator): block0 (N0 src -> N1 dst)
    h_dst = h[:N1]
    msgs = jnp.take(h, block0_src, axis=0)
    agg = _seg_mean(msgs, block0_dst, N1)
    h = h_dst @ Ws1 + agg @ Wn1 + b1
    h = jax.nn.relu(h)
    # SAGEConv layer 2: block1 (N1 src -> N2 dst)
    h_dst = h[:N2]
    msgs = jnp.take(h, block1_src, axis=0)
    agg = _seg_mean(msgs, block1_dst, N2)
    h = h_dst @ Ws2 + agg @ Wn2 + b2
    # classifier on subgraph (output) node embeddings
    logits = h @ Wc + bc
    return logits

if __name__ == "__main__":
    import jax
    _d = setup_inputs()
    print(jax.jit(kernel)(*tuple(_d.values())))

</pallas_src>

<mosaic_0001>
#map = affine_map<(d0, d1) -> (0, 0)>
#map1 = affine_map<(d0, d1) -> (0)>
#map2 = affine_map<(d0, d1) -> (0, 0, 0)>
module attributes {stable_mosaic.version = 14 : i64} {
  func.func @seg_sum(%arg0: i32, %arg1: i32, %arg2: memref<10000x128xf32, #tpu.memory_space<hbm>>, %arg3: memref<163840xi32, #tpu.memory_space<hbm>>, %arg4: memref<163840xi32, #tpu.memory_space<hbm>>, %arg5: memref<384x128xf32, #tpu.memory_space<hbm>>, %arg6: memref<6144xf32, #tpu.memory_space<hbm>>, %arg7: memref<2x6144x128xf32, #tpu.memory_space<hbm>>, %arg8: memref<2x6144xf32, #tpu.memory_space<hbm>>, %arg9: memref<2x128xi32, #tpu.memory_space<vmem>>, %arg10: memref<2x128xi32, #tpu.memory_space<vmem>>, %arg11: memref<128x128xf32, #tpu.memory_space<vmem>>, %arg12: memref<128x128xf32, #tpu.memory_space<vmem>>, %arg13: memref<6144xf32, #tpu.memory_space<vmem>>, %arg14: memref<16x384xf32, #tpu.memory_space<vmem>>, %arg15: memref<384xf32, #tpu.memory_space<vmem>>, %arg16: memref<6144x128xf32, #tpu.memory_space<vmem_shared>>, %arg17: memref<16x6144xf32, #tpu.memory_space<vmem_shared>>, %arg18: memref<!tpu.dma_semaphore, #tpu.memory_space<semaphore_mem>>, %arg19: memref<!tpu.dma_semaphore, #tpu.memory_space<semaphore_mem>>) attributes {dimension_semantics = [#tpu.dimension_semantics<core_parallel>, #tpu.dimension_semantics<subcore_parallel>], iteration_bounds = array<i64: 2, 16>, scalar_prefetch = 0 : i64, scratch_operands = 11 : i64, tpu.core_type = #tpu.core_type<sc_vector_subcore>, window_params = [{transform_indices = #map}, {transform_indices = #map1}, {transform_indices = #map1}, {transform_indices = #map}, {transform_indices = #map1}, {transform_indices = #map2}, {transform_indices = #map}]} {
    %mul3A = arith.constant 2 : i32
    %mul3A_0 = arith.muli %arg1, %mul3A : i32
    %add3A = arith.addi %mul3A_0, %arg0 : i32
    %mul3A_1 = arith.constant 384 : i32
    %mul3A_2 = arith.muli %arg1, %mul3A_1 : i32
    "tpu.region"() ({
      %run_scoped3A_27 = tpu.sem_alloc : memref<!tpu.dma_semaphore, #tpu.memory_space<semaphore_mem>>
      %dma_start3A_28 = arith.constant 0 : i32
      %dma_start3A_29 = tpu.memref_slice %arg16[%mul3A_2, %dma_start3A_28] : memref<6144x128xf32, #tpu.memory_space<vmem_shared>> -> memref<384x128xf32, #tpu.memory_space<vmem_shared>>
      tpu.enqueue_dma source(%arg5 : memref<384x128xf32, #tpu.memory_space<hbm>>) target(%dma_start3A_29 : memref<384x128xf32, #tpu.memory_space<vmem_shared>>) target_semaphore(%run_scoped3A_27 : memref<!tpu.dma_semaphore, #tpu.memory_space<semaphore_mem>>)
      %dma_wait3A = arith.constant 0 : i32
      %dma_wait3A_30 = tpu.memref_slice %arg16[%mul3A_2, %dma_wait3A] : memref<6144x128xf32, #tpu.memory_space<vmem_shared>> -> memref<384x128xf32, #tpu.memory_space<vmem_shared>>
      tpu.wait_dma2 semaphore(%run_scoped3A_27 : memref<!tpu.dma_semaphore, #tpu.memory_space<semaphore_mem>>) src(%arg5 : memref<384x128xf32, #tpu.memory_space<hbm>>) dst(%dma_wait3A_30 : memref<384x128xf32, #tpu.memory_space<vmem_shared>>)
      tpu.yield
    }) : () -> ()
    "tpu.region"() ({
      %run_scoped3A_27 = tpu.sem_alloc : memref<!tpu.dma_semaphore, #tpu.memory_space<semaphore_mem>>
      tpu.enqueue_dma source(%arg6 : memref<6144xf32, #tpu.memory_space<hbm>>) target(%arg13 : memref<6144xf32, #tpu.memory_space<vmem>>) target_semaphore(%run_scoped3A_27 : memref<!tpu.dma_semaphore, #tpu.memory_space<semaphore_mem>>)
      tpu.wait_dma2 semaphore(%run_scoped3A_27 : memref<!tpu.dma_semaphore, #tpu.memory_space<semaphore_mem>>) src(%arg6 : memref<6144xf32, #tpu.memory_space<hbm>>) dst(%arg13 : memref<6144xf32, #tpu.memory_space<vmem>>)
      tpu.yield
    }) : () -> ()
    %barrier3A = arith.constant 0 : index
    tpu.barrier barrier_id(%barrier3A)
    %mul3A_3 = arith.constant 5120 : i32
    %mul3A_4 = arith.muli %add3A, %mul3A_3 : i32
    %broadcast_in_dim3A = arith.constant 1.000000e+00 : f32
    %broadcast_in_dim3A_5 = vector.broadcast %broadcast_in_dim3A : f32 to vector<16xf32>
    %add3A_6 = arith.constant 0 : i32
    %add3A_7 = arith.addi %mul3A_4, %add3A_6 : i32
    %run_scoped3A = arith.constant 0 : i32
    "tpu.region"() ({
      %run_scoped3A_27 = tpu.sem_alloc : memref<!tpu.dma_semaphore, #tpu.memory_space<semaphore_mem>>
      %dma_start3A_28 = arith.constant 0 : i32
      %dma_start3A_29 = tpu.memref_slice %arg9[%run_scoped3A, %dma_start3A_28] : memref<2x128xi32, #tpu.memory_space<vmem>> -> memref<1x128xi32, #tpu.memory_space<vmem>>
      %dma_start3A_30 = tpu.memref_squeeze %dma_start3A_29 : memref<1x128xi32, #tpu.memory_space<vmem>> -> memref<128xi32, #tpu.memory_space<vmem>>
      %dma_start3A_31 = tpu.memref_slice %arg3[%add3A_7] : memref<163840xi32, #tpu.memory_space<hbm>> -> memref<128xi32, #tpu.memory_space<hbm>>
      %dma_start3A_32 = arith.constant 0 : i32
      %dma_start3A_33 = tpu.memref_slice %arg9[%run_scoped3A, %dma_start3A_32] : memref<2x128xi32, #tpu.memory_space<vmem>> -> memref<1x128xi32, #tpu.memory_space<vmem>>
      %dma_start3A_34 = tpu.memref_squeeze %dma_start3A_33 : memref<1x128xi32, #tpu.memory_space<vmem>> -> memref<128xi32, #tpu.memory_space<vmem>>
      %dma_start3A_35 = tpu.memref_slice %arg3[%add3A_7] : memref<163840xi32, #tpu.memory_space<hbm>> -> memref<128xi32, #tpu.memory_space<hbm>>
      tpu.enqueue_dma source(%dma_start3A_35 : memref<128xi32, #tpu.memory_space<hbm>>) target(%dma_start3A_34 : memref<128xi32, #tpu.memory_space<vmem>>) target_semaphore(%run_scoped3A_27 : memref<!tpu.dma_semaphore, #tpu.memory_space<semaphore_mem>>)
      %dma_wait3A = arith.constant 0 : i32
      %dma_wait3A_36 = tpu.memref_slice %arg9[%run_scoped3A, %dma_wait3A] : memref<2x128xi32, #tpu.memory_space<vmem>> -> memref<1x128xi32, #tpu.memory_space<vmem>>
      %dma_wait3A_37 = tpu.memref_squeeze %dma_wait3A_36 : memref<1x128xi32, #tpu.memory_space<vmem>> -> memref<128xi32, #tpu.memory_space<vmem>>
      %dma_wait3A_38 = tpu.memref_slice %arg3[%add3A_7] : memref<163840xi32, #tpu.memory_space<hbm>> -> memref<128xi32, #tpu.memory_space<hbm>>
      %dma_wait3A_39 = arith.constant 0 : i32
      %dma_wait3A_40 = tpu.memref_slice %arg9[%run_scoped3A, %dma_wait3A_39] : memref<2x128xi32, #tpu.memory_space<vmem>> -> memref<1x128xi32, #tpu.memory_space<vmem>>
      %dma_wait3A_41 = tpu.memref_squeeze %dma_wait3A_40 : memref<1x128xi32, #tpu.memory_space<vmem>> -> memref<128xi32, #tpu.memory_space<vmem>>
      %dma_wait3A_42 = tpu.memref_slice %arg3[%add3A_7] : memref<163840xi32, #tpu.memory_space<hbm>> -> memref<128xi32, #tpu.memory_space<hbm>>
      tpu.wait_dma2 semaphore(%run_scoped3A_27 : memref<!tpu.dma_semaphore, #tpu.memory_space<semaphore_mem>>) src(%dma_wait3A_42 : memref<128xi32, #tpu.memory_space<hbm>>) dst(%dma_wait3A_41 : memref<128xi32, #tpu.memory_space<vmem>>)
      tpu.yield
    }) : () -> ()
    %run_scoped3A_8 = arith.constant 0 : i32
    "tpu.region"() ({
      %run_scoped3A_27 = tpu.sem_alloc : memref<!tpu.dma_semaphore, #tpu.memory_space<semaphore_mem>>
      %dma_start3A_28 = arith.constant 0 : i32
      %dma_start3A_29 = tpu.memref_slice %arg10[%run_scoped3A_8, %dma_start3A_28] : memref<2x128xi32, #tpu.memory_space<vmem>> -> memref<1x128xi32, #tpu.memory_space<vmem>>
      %dma_start3A_30 = tpu.memref_squeeze %dma_start3A_29 : memref<1x128xi32, #tpu.memory_space<vmem>> -> memref<128xi32, #tpu.memory_space<vmem>>
      %dma_start3A_31 = tpu.memref_slice %arg4[%add3A_7] : memref<163840xi32, #tpu.memory_space<hbm>> -> memref<128xi32, #tpu.memory_space<hbm>>
      %dma_start3A_32 = arith.constant 0 : i32
      %dma_start3A_33 = tpu.memref_slice %arg10[%run_scoped3A_8, %dma_start3A_32] : memref<2x128xi32, #tpu.memory_space<vmem>> -> memref<1x128xi32, #tpu.memory_space<vmem>>
      %dma_start3A_34 = tpu.memref_squeeze %dma_start3A_33 : memref<1x128xi32, #tpu.memory_space<vmem>> -> memref<128xi32, #tpu.memory_space<vmem>>
      %dma_start3A_35 = tpu.memref_slice %arg4[%add3A_7] : memref<163840xi32, #tpu.memory_space<hbm>> -> memref<128xi32, #tpu.memory_space<hbm>>
      tpu.enqueue_dma source(%dma_start3A_35 : memref<128xi32, #tpu.memory_space<hbm>>) target(%dma_start3A_34 : memref<128xi32, #tpu.memory_space<vmem>>) target_semaphore(%run_scoped3A_27 : memref<!tpu.dma_semaphore, #tpu.memory_space<semaphore_mem>>)
      %dma_wait3A = arith.constant 0 : i32
      %dma_wait3A_36 = tpu.memref_slice %arg10[%run_scoped3A_8, %dma_wait3A] : memref<2x128xi32, #tpu.memory_space<vmem>> -> memref<1x128xi32, #tpu.memory_space<vmem>>
      %dma_wait3A_37 = tpu.memref_squeeze %dma_wait3A_36 : memref<1x128xi32, #tpu.memory_space<vmem>> -> memref<128xi32, #tpu.memory_space<vmem>>
      %dma_wait3A_38 = tpu.memref_slice %arg4[%add3A_7] : memref<163840xi32, #tpu.memory_space<hbm>> -> memref<128xi32, #tpu.memory_space<hbm>>
      %dma_wait3A_39 = arith.constant 0 : i32
      %dma_wait3A_40 = tpu.memref_slice %arg10[%run_scoped3A_8, %dma_wait3A_39] : memref<2x128xi32, #tpu.memory_space<vmem>> -> memref<1x128xi32, #tpu.memory_space<vmem>>
      %dma_wait3A_41 = tpu.memref_squeeze %dma_wait3A_40 : memref<1x128xi32, #tpu.memory_space<vmem>> -> memref<128xi32, #tpu.memory_space<vmem>>
      %dma_wait3A_42 = tpu.memref_slice %arg4[%add3A_7] : memref<163840xi32, #tpu.memory_space<hbm>> -> memref<128xi32, #tpu.memory_space<hbm>>
      tpu.wait_dma2 semaphore(%run_scoped3A_27 : memref<!tpu.dma_semaphore, #tpu.memory_space<semaphore_mem>>) src(%dma_wait3A_42 : memref<128xi32, #tpu.memory_space<hbm>>) dst(%dma_wait3A_41 : memref<128xi32, #tpu.memory_space<vmem>>)
      tpu.yield
    }) : () -> ()
    %dma_start3A = arith.constant 0 : i32
    %dma_start3A_9 = arith.constant 0 : i32
    %dma_start3A_10 = tpu.memref_slice %arg9[%dma_start3A, %dma_start3A_9] : memref<2x128xi32, #tpu.memory_space<vmem>> -> memref<1x128xi32, #tpu.memory_space<vmem>>
    %dma_start3A_11 = tpu.memref_squeeze %dma_start3A_10 : memref<1x128xi32, #tpu.memory_space<vmem>> -> memref<128xi32, #tpu.memory_space<vmem>>
    %dma_start3A_12 = arith.constant 0 : i32
    %dma_start3A_13 = arith.constant 0 : i32
    %dma_start3A_14 = tpu.memref_slice %arg2[%dma_start3A_12, %dma_start3A_13] : memref<10000x128xf32, #tpu.memory_space<hbm>> -> memref<10000x128xf32, #tpu.memory_space<hbm>>
    tpu.enqueue_indirect_dma source(%dma_start3A_14 : memref<10000x128xf32, #tpu.memory_space<hbm>>) target(%arg11 : memref<128x128xf32, #tpu.memory_space<vmem>>) offsets(%dma_start3A_11 : memref<128xi32, #tpu.memory_space<vmem>>) semaphore(%arg18 : memref<!tpu.dma_semaphore, #tpu.memory_space<semaphore_mem>>)
    %scan3A = arith.constant 0 : i32
    %scan3A_15 = arith.constant 0 : i32
    %scan3A_16 = arith.constant 20 : i32
    %scan3A_17 = arith.addi %scan3A_15, %scan3A_16 : i32
    %scan3A_18 = arith.constant 1 : i32
    scf.for %scan3A_27 = %scan3A_15 to %scan3A_17 step %scan3A_18  : i32 {
      %mul3A_28 = arith.constant 2 : i32
      %mul3A_29 = arith.muli %mul3A_28, %scan3A_27 : i32
      %add3A_30 = arith.constant 1 : i32
      %add3A_31 = arith.addi %mul3A_29, %add3A_30 : i32
      %mul3A_32 = arith.constant 128 : i32
      %mul3A_33 = arith.muli %add3A_31, %mul3A_32 : i32
      %add3A_34 = arith.addi %mul3A_4, %mul3A_33 : i32
      %run_scoped3A_35 = arith.constant 1 : i32
      "tpu.region"() ({
        %run_scoped3A_126 = tpu.sem_alloc : memref<!tpu.dma_semaphore, #tpu.memory_space<semaphore_mem>>
        %dma_start3A_127 = arith.constant 0 : i32
        %dma_start3A_128 = tpu.memref_slice %arg9[%run_scoped3A_35, %dma_start3A_127] : memref<2x128xi32, #tpu.memory_space<vmem>> -> memref<1x128xi32, #tpu.memory_space<vmem>>
        %dma_start3A_129 = tpu.memref_squeeze %dma_start3A_128 : memref<1x128xi32, #tpu.memory_space<vmem>> -> memref<128xi32, #tpu.memory_space<vmem>>
        %dma_start3A_130 = tpu.memref_slice %arg3[%add3A_34] : memref<163840xi32, #tpu.memory_space<hbm>> -> memref<128xi32, #tpu.memory_space<hbm>>
        %dma_start3A_131 = arith.constant 0 : i32
        %dma_start3A_132 = tpu.memref_slice %arg9[%run_scoped3A_35, %dma_start3A_131] : memref<2x128xi32, #tpu.memory_space<vmem>> -> memref<1x128xi32, #tpu.memory_space<vmem>>
        %dma_start3A_133 = tpu.memref_squeeze %dma_start3A_132 : memref<1x128xi32, #tpu.memory_space<vmem>> -> memref<128xi32, #tpu.memory_space<vmem>>
        %dma_start3A_134 = tpu.memref_slice %arg3[%add3A_34] : memref<163840xi32, #tpu.memory_space<hbm>> -> memref<128xi32, #tpu.memory_space<hbm>>
        tpu.enqueue_dma source(%dma_start3A_134 : memref<128xi32, #tpu.memory_space<hbm>>) target(%dma_start3A_133 : memref<128xi32, #tpu.memory_space<vmem>>) target_semaphore(%run_scoped3A_126 : memref<!tpu.dma_semaphore, #tpu.memory_space<semaphore_mem>>)
        %dma_wait3A_135 = arith.constant 0 : i32
        %dma_wait3A_136 = tpu.memref_slice %arg9[%run_scoped3A_35, %dma_wait3A_135] : memref<2x128xi32, #tpu.memory_space<vmem>> -> memref<1x128xi32, #tpu.memory_space<vmem>>
        %dma_wait3A_137 = tpu.memref_squeeze %dma_wait3A_136 : memref<1x128xi32, #tpu.memory_space<vmem>> -> memref<128xi32, #tpu.memory_space<vmem>>
        %dma_wait3A_138 = tpu.memref_slice %arg3[%add3A_34] : memref<163840xi32, #tpu.memory_space<hbm>> -> memref<128xi32, #tpu.memory_space<hbm>>
        %dma_wait3A_139 = arith.constant 0 : i32
        %dma_wait3A_140 = tpu.memref_slice %arg9[%run_scoped3A_35, %dma_wait3A_139] : memref<2x128xi32, #tpu.memory_space<vmem>> -> memref<1x128xi32, #tpu.memory_space<vmem>>
        %dma_wait3A_141 = tpu.memref_squeeze %dma_wait3A_140 : memref<1x128xi32, #tpu.memory_space<vmem>> -> memref<128xi32, #tpu.memory_space<vmem>>
        %dma_wait3A_142 = tpu.memref_slice %arg3[%add3A_34] : memref<163840xi32, #tpu.memory_space<hbm>> -> memref<128xi32, #tpu.memory_space<hbm>>
        tpu.wait_dma2 semaphore(%run_scoped3A_126 : memref<!tpu.dma_semaphore, #tpu.memory_space<semaphore_mem>>) src(%dma_wait3A_142 : memref<128xi32, #tpu.memory_space<hbm>>) dst(%dma_wait3A_141 : memref<128xi32, #tpu.memory_space<vmem>>)
        tpu.yield
      }) : () -> ()
      %run_scoped3A_36 = arith.constant 1 : i32
      "tpu.region"() ({
        %run_scoped3A_126 = tpu.sem_alloc : memref<!tpu.dma_semaphore, #tpu.memory_space<semaphore_mem>>
        %dma_start3A_127 = arith.constant 0 : i32
        %dma_start3A_128 = tpu.memref_slice %arg10[%run_scoped3A_36, %dma_start3A_127] : memref<2x128xi32, #tpu.memory_space<vmem>> -> memref<1x128xi32, #tpu.memory_space<vmem>>
        %dma_start3A_129 = tpu.memref_squeeze %dma_start3A_128 : memref<1x128xi32, #tpu.memory_space<vmem>> -> memref<128xi32, #tpu.memory_space<vmem>>
        %dma_start3A_130 = tpu.memref_slice %arg4[%add3A_34] : memref<163840xi32, #tpu.memory_space<hbm>> -> memref<128xi32, #tpu.memory_space<hbm>>
        %dma_start3A_131 = arith.constant 0 : i32
        %dma_start3A_132 = tpu.memref_slice %arg10[%run_scoped3A_36, %dma_start3A_131] : memref<2x128xi32, #tpu.memory_space<vmem>> -> memref<1x128xi32, #tpu.memory_space<vmem>>
        %dma_start3A_133 = tpu.memref_squeeze %dma_start3A_132 : memref<1x128xi32, #tpu.memory_space<vmem>> -> memref<128xi32, #tpu.memory_space<vmem>>
        %dma_start3A_134 = tpu.memref_slice %arg4[%add3A_34] : memref<163840xi32, #tpu.memory_space<hbm>> -> memref<128xi32, #tpu.memory_space<hbm>>
        tpu.enqueue_dma source(%dma_start3A_134 : memref<128xi32, #tpu.memory_space<hbm>>) target(%dma_start3A_133 : memref<128xi32, #tpu.memory_space<vmem>>) target_semaphore(%run_scoped3A_126 : memref<!tpu.dma_semaphore, #tpu.memory_space<semaphore_mem>>)
        %dma_wait3A_135 = arith.constant 0 : i32
        %dma_wait3A_136 = tpu.memref_slice %arg10[%run_scoped3A_36, %dma_wait3A_135] : memref<2x128xi32, #tpu.memory_space<vmem>> -> memref<1x128xi32, #tpu.memory_space<vmem>>
        %dma_wait3A_137 = tpu.memref_squeeze %dma_wait3A_136 : memref<1x128xi32, #tpu.memory_space<vmem>> -> memref<128xi32, #tpu.memory_space<vmem>>
        %dma_wait3A_138 = tpu.memref_slice %arg4[%add3A_34] : memref<163840xi32, #tpu.memory_space<hbm>> -> memref<128xi32, #tpu.memory_space<hbm>>
        %dma_wait3A_139 = arith.constant 0 : i32
        %dma_wait3A_140 = tpu.memref_slice %arg10[%run_scoped3A_36, %dma_wait3A_139] : memref<2x128xi32, #tpu.memory_space<vmem>> -> memref<1x128xi32, #tpu.memory_space<vmem>>
        %dma_wait3A_141 = tpu.memref_squeeze %dma_wait3A_140 : memref<1x128xi32, #tpu.memory_space<vmem>> -> memref<128xi32, #tpu.memory_space<vmem>>
        %dma_wait3A_142 = tpu.memref_slice %arg4[%add3A_34] : memref<163840xi32, #tpu.memory_space<hbm>> -> memref<128xi32, #tpu.memory_space<hbm>>
        tpu.wait_dma2 semaphore(%run_scoped3A_126 : memref<!tpu.dma_semaphore, #tpu.memory_space<semaphore_mem>>) src(%dma_wait3A_142 : memref<128xi32, #tpu.memory_space<hbm>>) dst(%dma_wait3A_141 : memref<128xi32, #tpu.memory_space<vmem>>)
        tpu.yield
      }) : () -> ()
      %dma_start3A_37 = arith.constant 1 : i32
      %dma_start3A_38 = arith.constant 0 : i32
      %dma_start3A_39 = tpu.memref_slice %arg9[%dma_start3A_37, %dma_start3A_38] : memref<2x128xi32, #tpu.memory_space<vmem>> -> memref<1x128xi32, #tpu.memory_space<vmem>>
      %dma_start3A_40 = tpu.memref_squeeze %dma_start3A_39 : memref<1x128xi32, #tpu.memory_space<vmem>> -> memref<128xi32, #tpu.memory_space<vmem>>
      %dma_start3A_41 = arith.constant 0 : i32
      %dma_start3A_42 = arith.constant 0 : i32
      %dma_start3A_43 = tpu.memref_slice %arg2[%dma_start3A_41, %dma_start3A_42] : memref<10000x128xf32, #tpu.memory_space<hbm>> -> memref<10000x128xf32, #tpu.memory_space<hbm>>
      tpu.enqueue_indirect_dma source(%dma_start3A_43 : memref<10000x128xf32, #tpu.memory_space<hbm>>) target(%arg12 : memref<128x128xf32, #tpu.memory_space<vmem>>) offsets(%dma_start3A_40 : memref<128xi32, #tpu.memory_space<vmem>>) semaphore(%arg19 : memref<!tpu.dma_semaphore, #tpu.memory_space<semaphore_mem>>)
      %dma_wait3A = arith.constant 0 : i32
      %dma_wait3A_44 = arith.constant 0 : i32
      %dma_wait3A_45 = tpu.memref_slice %arg9[%dma_wait3A, %dma_wait3A_44] : memref<2x128xi32, #tpu.memory_space<vmem>> -> memref<1x128xi32, #tpu.memory_space<vmem>>
      %dma_wait3A_46 = tpu.memref_squeeze %dma_wait3A_45 : memref<1x128xi32, #tpu.memory_space<vmem>> -> memref<128xi32, #tpu.memory_space<vmem>>
      %dma_wait3A_47 = arith.constant 0 : i32
      %dma_wait3A_48 = arith.constant 0 : i32
      %dma_wait3A_49 = tpu.memref_slice %arg2[%dma_wait3A_47, %dma_wait3A_48] : memref<10000x128xf32, #tpu.memory_space<hbm>> -> memref<10000x128xf32, #tpu.memory_space<hbm>>
      tpu.wait_indirect_dma semaphore(%arg18 : memref<!tpu.dma_semaphore, #tpu.memory_space<semaphore_mem>>) src(%dma_wait3A_49 : memref<10000x128xf32, #tpu.memory_space<hbm>>) dst(%arg11 : memref<128x128xf32, #tpu.memory_space<vmem>>)
      %run_scoped3A_50 = arith.constant 0 : i32
      "tpu.region"() ({
        %run_scoped3A_126 = tpu.sem_alloc : memref<!tpu.dma_semaphore, #tpu.memory_space<semaphore_mem>>
        %dma_start3A_127 = arith.constant 0 : i32
        %dma_start3A_128 = tpu.memref_slice %arg10[%run_scoped3A_50, %dma_start3A_127] : memref<2x128xi32, #tpu.memory_space<vmem>> -> memref<1x128xi32, #tpu.memory_space<vmem>>
        %dma_start3A_129 = tpu.memref_squeeze %dma_start3A_128 : memref<1x128xi32, #tpu.memory_space<vmem>> -> memref<128xi32, #tpu.memory_space<vmem>>
        %dma_start3A_130 = arith.constant 0 : i32
        %dma_start3A_131 = arith.constant 0 : i32
        %dma_start3A_132 = tpu.memref_slice %arg16[%dma_start3A_130, %dma_start3A_131] : memref<6144x128xf32, #tpu.memory_space<vmem_shared>> -> memref<6144x128xf32, #tpu.memory_space<vmem_shared>>
        tpu.enqueue_indirect_dma source(%arg11 : memref<128x128xf32, #tpu.memory_space<vmem>>) target(%dma_start3A_132 : memref<6144x128xf32, #tpu.memory_space<vmem_shared>>) offsets(%dma_start3A_129 : memref<128xi32, #tpu.memory_space<vmem>>) semaphore(%run_scoped3A_126 : memref<!tpu.dma_semaphore, #tpu.memory_space<semaphore_mem>>) {add = true}
        %dma_wait3A_133 = arith.constant 0 : i32
        %dma_wait3A_134 = tpu.memref_slice %arg10[%run_scoped3A_50, %dma_wait3A_133] : memref<2x128xi32, #tpu.memory_space<vmem>> -> memref<1x128xi32, #tpu.memory_space<vmem>>
        %dma_wait3A_135 = tpu.memref_squeeze %dma_wait3A_134 : memref<1x128xi32, #tpu.memory_space<vmem>> -> memref<128xi32, #tpu.memory_space<vmem>>
        %dma_wait3A_136 = arith.constant 0 : i32
        %dma_wait3A_137 = arith.constant 0 : i32
        %dma_wait3A_138 = tpu.memref_slice %arg16[%dma_wait3A_136, %dma_wait3A_137] : memref<6144x128xf32, #tpu.memory_space<vmem_shared>> -> memref<6144x128xf32, #tpu.memory_space<vmem_shared>>
        tpu.wait_indirect_dma semaphore(%run_scoped3A_126 : memref<!tpu.dma_semaphore, #tpu.memory_space<semaphore_mem>>) src(%arg11 : memref<128x128xf32, #tpu.memory_space<vmem>>) dst(%dma_wait3A_138 : memref<6144x128xf32, #tpu.memory_space<vmem_shared>>)
        tpu.yield
      }) : () -> ()
      %get3A = arith.constant 0 : i32
      %get3A_51 = arith.index_cast %get3A : i32 to index
      %get3A_52 = arith.constant 0 : index
      %get3A_53 = tpu.vector_load %arg10[%get3A_51, %get3A_52] {strides = array<i32>} : memref<2x128xi32, #tpu.memory_space<vmem>>, vector<16xi32>,
      tpu.vector_store_idx %arg13[%get3A_53], %broadcast_in_dim3A_5 {add = true} : memref<6144xf32, #tpu.memory_space<vmem>>[vector<16xi32>], vector<16xf32>,
      %get3A_54 = arith.constant 0 : i32
      %get3A_55 = arith.index_cast %get3A_54 : i32 to index
      %get3A_56 = arith.constant 16 : index
      %get3A_57 = tpu.vector_load %arg10[%get3A_55, %get3A_56] {strides = array<i32>} : memref<2x128xi32, #tpu.memory_space<vmem>>, vector<16xi32>,
      tpu.vector_store_idx %arg13[%get3A_57], %broadcast_in_dim3A_5 {add = true} : memref<6144xf32, #tpu.memory_space<vmem>>[vector<16xi32>], vector<16xf32>,
      %get3A_58 = arith.constant 0 : i32
      %get3A_59 = arith.index_cast %get3A_58 : i32 to index
      %get3A_60 = arith.constant 32 : index
      %get3A_61 = tpu.vector_load %arg10[%get3A_59, %get3A_60] {strides = array<i32>} : memref<2x128xi32, #tpu.memory_space<vmem>>, vector<16xi32>,
      tpu.vector_store_idx %arg13[%get3A_61], %broadcast_in_dim3A_5 {add = true} : memref<6144xf32, #tpu.memory_space<vmem>>[vector<16xi32>], vector<16xf32>,
      %get3A_62 = arith.constant 0 : i32
      %get3A_63 = arith.index_cast %get3A_62 : i32 to index
      %get3A_64 = arith.constant 48 : index
      %get3A_65 = tpu.vector_load %arg10[%get3A_63, %get3A_64] {strides = array<i32>} : memref<2x128xi32, #tpu.memory_space<vmem>>, vector<16xi32>,
      tpu.vector_store_idx %arg13[%get3A_65], %broadcast_in_dim3A_5 {add = true} : memref<6144xf32, #tpu.memory_space<vmem>>[vector<16xi32>], vector<16xf32>,
      %get3A_66 = arith.constant 0 : i32
      %get3A_67 = arith.index_cast %get3A_66 : i32 to index
      %get3A_68 = arith.constant 64 : index
      %get3A_69 = tpu.vector_load %arg10[%get3A_67, %get3A_68] {strides = array<i32>} : memref<2x128xi32, #tpu.memory_space<vmem>>, vector<16xi32>,
      tpu.vector_store_idx %arg13[%get3A_69], %broadcast_in_dim3A_5 {add = true} : memref<6144xf32, #tpu.memory_space<vmem>>[vector<16xi32>], vector<16xf32>,
      %get3A_70 = arith.constant 0 : i32
      %get3A_71 = arith.index_cast %get3A_70 : i32 to index
      %get3A_72 = arith.constant 80 : index
      %get3A_73 = tpu.vector_load %arg10[%get3A_71, %get3A_72] {strides = array<i32>} : memref<2x128xi32, #tpu.memory_space<vmem>>, vector<16xi32>,
      tpu.vector_store_idx %arg13[%get3A_73], %broadcast_in_dim3A_5 {add = true} : memref<6144xf32, #tpu.memory_space<vmem>>[vector<16xi32>], vector<16xf32>,
      %get3A_74 = arith.constant 0 : i32
      %get3A_75 = arith.index_cast %get3A_74 : i32 to index
      %get3A_76 = arith.constant 96 : index
      %get3A_77 = tpu.vector_load %arg10[%get3A_75, %get3A_76] {strides = array<i32>} : memref<2x128xi32, #tpu.memory_space<vmem>>, vector<16xi32>,
      tpu.vector_store_idx %arg13[%get3A_77], %broadcast_in_dim3A_5 {add = true} : memref<6144xf32, #tpu.memory_space<vmem>>[vector<16xi32>], vector<16xf32>,
      %get3A_78 = arith.constant 0 : i32
      %get3A_79 = arith.index_cast %get3A_78 : i32 to index
      %get3A_80 = arith.constant 112 : index
      %get3A_81 = tpu.vector_load %arg10[%get3A_79, %get3A_80] {strides = array<i32>} : memref<2x128xi32, #tpu.memory_space<vmem>>, vector<16xi32>,
      tpu.vector_store_idx %arg13[%get3A_81], %broadcast_in_dim3A_5 {add = true} : memref<6144xf32, #tpu.memory_space<vmem>>[vector<16xi32>], vector<16xf32>,
      %add3A_82 = arith.constant 1 : i32
      %add3A_83 = arith.addi %scan3A_27, %add3A_82 : i32
      %lt3A = arith.constant 20 : i32
      %lt3A_84 = arith.cmpi slt, %add3A_83, %lt3A : i32
      %convert_element_type3A = arith.extui %lt3A_84 : i1 to i32
      %cond3A = arith.constant 0 : i32
      %cond3A_85 = arith.cmpi ne, %convert_element_type3A, %cond3A : i32
      scf.if %cond3A_85 {
        %add3A_126 = arith.constant 2 : i32
        %add3A_127 = arith.addi %mul3A_29, %add3A_126 : i32
        %mul3A_128 = arith.constant 128 : i32
        %mul3A_129 = arith.muli %add3A_127, %mul3A_128 : i32
        %add3A_130 = arith.addi %mul3A_4, %mul3A_129 : i32
        %run_scoped3A_131 = arith.constant 0 : i32
        "tpu.region"() ({
          %run_scoped3A_140 = tpu.sem_alloc : memref<!tpu.dma_semaphore, #tpu.memory_space<semaphore_mem>>
          %dma_start3A_141 = arith.constant 0 : i32
          %dma_start3A_142 = tpu.memref_slice %arg9[%run_scoped3A_131, %dma_start3A_141] : memref<2x128xi32, #tpu.memory_space<vmem>> -> memref<1x128xi32, #tpu.memory_space<vmem>>
          %dma_start3A_143 = tpu.memref_squeeze %dma_start3A_142 : memref<1x128xi32, #tpu.memory_space<vmem>> -> memref<128xi32, #tpu.memory_space<vmem>>
          %dma_start3A_144 = tpu.memref_slice %arg3[%add3A_130] : memref<163840xi32, #tpu.memory_space<hbm>> -> memref<128xi32, #tpu.memory_space<hbm>>
          %dma_start3A_145 = arith.constant 0 : i32
          %dma_start3A_146 = tpu.memref_slice %arg9[%run_scoped3A_131, %dma_start3A_145] : memref<2x128xi32, #tpu.memory_space<vmem>> -> memref<1x128xi32, #tpu.memory_space<vmem>>
          %dma_start3A_147 = tpu.memref_squeeze %dma_start3A_146 : memref<1x128xi32, #tpu.memory_space<vmem>> -> memref<128xi32, #tpu.memory_space<vmem>>
          %dma_start3A_148 = tpu.memref_slice %arg3[%add3A_130] : memref<163840xi32, #tpu.memory_space<hbm>> -> memref<128xi32, #tpu.memory_space<hbm>>
          tpu.enqueue_dma source(%dma_start3A_148 : memref<128xi32, #tpu.memory_space<hbm>>) target(%dma_start3A_147 : memref<128xi32, #tpu.memory_space<vmem>>) target_semaphore(%run_scoped3A_140 : memref<!tpu.dma_semaphore, #tpu.memory_space<semaphore_mem>>)
          %dma_wait3A_149 = arith.constant 0 : i32
          %dma_wait3A_150 = tpu.memref_slice %arg9[%run_scoped3A_131, %dma_wait3A_149] : memref<2x128xi32, #tpu.memory_space<vmem>> -> memref<1x128xi32, #tpu.memory_space<vmem>>
          %dma_wait3A_151 = tpu.memref_squeeze %dma_wait3A_150 : memref<1x128xi32, #tpu.memory_space<vmem>> -> memref<128xi32, #tpu.memory_space<vmem>>
          %dma_wait3A_152 = tpu.memref_slice %arg3[%add3A_130] : memref<163840xi32, #tpu.memory_space<hbm>> -> memref<128xi32, #tpu.memory_space<hbm>>
          %dma_wait3A_153 = arith.constant 0 : i32
          %dma_wait3A_154 = tpu.memref_slice %arg9[%run_scoped3A_131, %dma_wait3A_153] : memref<2x128xi32, #tpu.memory_space<vmem>> -> memref<1x128xi32, #tpu.memory_space<vmem>>
          %dma_wait3A_155 = tpu.memref_squeeze %dma_wait3A_154 : memref<1x128xi32, #tpu.memory_space<vmem>> -> memref<128xi32, #tpu.memory_space<vmem>>
          %dma_wait3A_156 = tpu.memref_slice %arg3[%add3A_130] : memref<163840xi32, #tpu.memory_space<hbm>> -> memref<128xi32, #tpu.memory_space<hbm>>
          tpu.wait_dma2 semaphore(%run_scoped3A_140 : memref<!tpu.dma_semaphore, #tpu.memory_space<semaphore_mem>>) src(%dma_wait3A_156 : memref<128xi32, #tpu.memory_space<hbm>>) dst(%dma_wait3A_155 : memref<128xi32, #tpu.memory_space<vmem>>)
          tpu.yield
        }) : () -> ()
        %run_scoped3A_132 = arith.constant 0 : i32
        "tpu.region"() ({
          %run_scoped3A_140 = tpu.sem_alloc : memref<!tpu.dma_semaphore, #tpu.memory_space<semaphore_mem>>
          %dma_start3A_141 = arith.constant 0 : i32
          %dma_start3A_142 = tpu.memref_slice %arg10[%run_scoped3A_132, %dma_start3A_141] : memref<2x128xi32, #tpu.memory_space<vmem>> -> memref<1x128xi32, #tpu.memory_space<vmem>>
          %dma_start3A_143 = tpu.memref_squeeze %dma_start3A_142 : memref<1x128xi32, #tpu.memory_space<vmem>> -> memref<128xi32, #tpu.memory_space<vmem>>
          %dma_start3A_144 = tpu.memref_slice %arg4[%add3A_130] : memref<163840xi32, #tpu.memory_space<hbm>> -> memref<128xi32, #tpu.memory_space<hbm>>
          %dma_start3A_145 = arith.constant 0 : i32
          %dma_start3A_146 = tpu.memref_slice %arg10[%run_scoped3A_132, %dma_start3A_145] : memref<2x128xi32, #tpu.memory_space<vmem>> -> memref<1x128xi32, #tpu.memory_space<vmem>>
          %dma_start3A_147 = tpu.memref_squeeze %dma_start3A_146 : memref<1x128xi32, #tpu.memory_space<vmem>> -> memref<128xi32, #tpu.memory_space<vmem>>
          %dma_start3A_148 = tpu.memref_slice %arg4[%add3A_130] : memref<163840xi32, #tpu.memory_space<hbm>> -> memref<128xi32, #tpu.memory_space<hbm>>
          tpu.enqueue_dma source(%dma_start3A_148 : memref<128xi32, #tpu.memory_space<hbm>>) target(%dma_start3A_147 : memref<128xi32, #tpu.memory_space<vmem>>) target_semaphore(%run_scoped3A_140 : memref<!tpu.dma_semaphore, #tpu.memory_space<semaphore_mem>>)
          %dma_wait3A_149 = arith.constant 0 : i32
          %dma_wait3A_150 = tpu.memref_slice %arg10[%run_scoped3A_132, %dma_wait3A_149] : memref<2x128xi32, #tpu.memory_space<vmem>> -> memref<1x128xi32, #tpu.memory_space<vmem>>
          %dma_wait3A_151 = tpu.memref_squeeze %dma_wait3A_150 : memref<1x128xi32, #tpu.memory_space<vmem>> -> memref<128xi32, #tpu.memory_space<vmem>>
          %dma_wait3A_152 = tpu.memref_slice %arg4[%add3A_130] : memref<163840xi32, #tpu.memory_space<hbm>> -> memref<128xi32, #tpu.memory_space<hbm>>
          %dma_wait3A_153 = arith.constant 0 : i32
          %dma_wait3A_154 = tpu.memref_slice %arg10[%run_scoped3A_132, %dma_wait3A_153] : memref<2x128xi32, #tpu.memory_space<vmem>> -> memref<1x128xi32, #tpu.memory_space<vmem>>
          %dma_wait3A_155 = tpu.memref_squeeze %dma_wait3A_154 : memref<1x128xi32, #tpu.memory_space<vmem>> -> memref<128xi32, #tpu.memory_space<vmem>>
          %dma_wait3A_156 = tpu.memref_slice %arg4[%add3A_130] : memref<163840xi32, #tpu.memory_space<hbm>> -> memref<128xi32, #tpu.memory_space<hbm>>
          tpu.wait_dma2 semaphore(%run_scoped3A_140 : memref<!tpu.dma_semaphore, #tpu.memory_space<semaphore_mem>>) src(%dma_wait3A_156 : memref<128xi32, #tpu.memory_space<hbm>>) dst(%dma_wait3A_155 : memref<128xi32, #tpu.memory_space<vmem>>)
          tpu.yield
        }) : () -> ()
        %dma_start3A_133 = arith.constant 0 : i32
        %dma_start3A_134 = arith.constant 0 : i32
        %dma_start3A_135 = tpu.memref_slice %arg9[%dma_start3A_133, %dma_start3A_134] : memref<2x128xi32, #tpu.memory_space<vmem>> -> memref<1x128xi32, #tpu.memory_space<vmem>>
        %dma_start3A_136 = tpu.memref_squeeze %dma_start3A_135 : memref<1x128xi32, #tpu.memory_space<vmem>> -> memref<128xi32, #tpu.memory_space<vmem>>
        %dma_start3A_137 = arith.constant 0 : i32
        %dma_start3A_138 = arith.constant 0 : i32
        %dma_start3A_139 = tpu.memref_slice %arg2[%dma_start3A_137, %dma_start3A_138] : memref<10000x128xf32, #tpu.memory_space<hbm>> -> memref<10000x128xf32, #tpu.memory_space<hbm>>
        tpu.enqueue_indirect_dma source(%dma_start3A_139 : memref<10000x128xf32, #tpu.memory_space<hbm>>) target(%arg11 : memref<128x128xf32, #tpu.memory_space<vmem>>) offsets(%dma_start3A_136 : memref<128xi32, #tpu.memory_space<vmem>>) semaphore(%arg18 : memref<!tpu.dma_semaphore, #tpu.memory_space<semaphore_mem>>)
      } else {
      }
      %dma_wait3A_86 = arith.constant 1 : i32
      %dma_wait3A_87 = arith.constant 0 : i32
      %dma_wait3A_88 = tpu.memref_slice %arg9[%dma_wait3A_86, %dma_wait3A_87] : memref<2x128xi32, #tpu.memory_space<vmem>> -> memref<1x128xi32, #tpu.memory_space<vmem>>
      %dma_wait3A_89 = tpu.memref_squeeze %dma_wait3A_88 : memref<1x128xi32, #tpu.memory_space<vmem>> -> memref<128xi32, #tpu.memory_space<vmem>>
      %dma_wait3A_90 = arith.constant 0 : i32
      %dma_wait3A_91 = arith.constant 0 : i32
      %dma_wait3A_92 = tpu.memref_slice %arg2[%dma_wait3A_90, %dma_wait3A_91] : memref<10000x128xf32, #tpu.memory_space<hbm>> -> memref<10000x128xf32, #tpu.memory_space<hbm>>
      tpu.wait_indirect_dma semaphore(%arg19 : memref<!tpu.dma_semaphore, #tpu.memory_space<semaphore_mem>>) src(%dma_wait3A_92 : memref<10000x128xf32, #tpu.memory_space<hbm>>) dst(%arg12 : memref<128x128xf32, #tpu.memory_space<vmem>>)
      %run_scoped3A_93 = arith.constant 1 : i32
      "tpu.region"() ({
        %run_scoped3A_126 = tpu.sem_alloc : memref<!tpu.dma_semaphore, #tpu.memory_space<semaphore_mem>>
        %dma_start3A_127 = arith.constant 0 : i32
        %dma_start3A_128 = tpu.memref_slice %arg10[%run_scoped3A_93, %dma_start3A_127] : memref<2x128xi32, #tpu.memory_space<vmem>> -> memref<1x128xi32, #tpu.memory_space<vmem>>
        %dma_start3A_129 = tpu.memref_squeeze %dma_start3A_128 : memref<1x128xi32, #tpu.memory_space<vmem>> -> memref<128xi32, #tpu.memory_space<vmem>>
        %dma_start3A_130 = arith.constant 0 : i32
        %dma_start3A_131 = arith.constant 0 : i32
        %dma_start3A_132 = tpu.memref_slice %arg16[%dma_start3A_130, %dma_start3A_131] : memref<6144x128xf32, #tpu.memory_space<vmem_shared>> -> memref<6144x128xf32, #tpu.memory_space<vmem_shared>>
        tpu.enqueue_indirect_dma source(%arg12 : memref<128x128xf32, #tpu.memory_space<vmem>>) target(%dma_start3A_132 : memref<6144x128xf32, #tpu.memory_space<vmem_shared>>) offsets(%dma_start3A_129 : memref<128xi32, #tpu.memory_space<vmem>>) semaphore(%run_scoped3A_126 : memref<!tpu.dma_semaphore, #tpu.memory_space<semaphore_mem>>) {add = true}
        %dma_wait3A_133 = arith.constant 0 : i32
        %dma_wait3A_134 = tpu.memref_slice %arg10[%run_scoped3A_93, %dma_wait3A_133] : memref<2x128xi32, #tpu.memory_space<vmem>> -> memref<1x128xi32, #tpu.memory_space<vmem>>
        %dma_wait3A_135 = tpu.memref_squeeze %dma_wait3A_134 : memref<1x128xi32, #tpu.memory_space<vmem>> -> memref<128xi32, #tpu.memory_space<vmem>>
        %dma_wait3A_136 = arith.constant 0 : i32
        %dma_wait3A_137 = arith.constant 0 : i32
        %dma_wait3A_138 = tpu.memref_slice %arg16[%dma_wait3A_136, %dma_wait3A_137] : memref<6144x128xf32, #tpu.memory_space<vmem_shared>> -> memref<6144x128xf32, #tpu.memory_space<vmem_shared>>
        tpu.wait_indirect_dma semaphore(%run_scoped3A_126 : memref<!tpu.dma_semaphore, #tpu.memory_space<semaphore_mem>>) src(%arg12 : memref<128x128xf32, #tpu.memory_space<vmem>>) dst(%dma_wait3A_138 : memref<6144x128xf32, #tpu.memory_space<vmem_shared>>)
        tpu.yield
      }) : () -> ()
      %get3A_94 = arith.constant 1 : i32
      %get3A_95 = arith.index_cast %get3A_94 : i32 to index
      %get3A_96 = arith.constant 0 : index
      %get3A_97 = tpu.vector_load %arg10[%get3A_95, %get3A_96] {strides = array<i32>} : memref<2x128xi32, #tpu.memory_space<vmem>>, vector<16xi32>,
      tpu.vector_store_idx %arg13[%get3A_97], %broadcast_in_dim3A_5 {add = true} : memref<6144xf32, #tpu.memory_space<vmem>>[vector<16xi32>], vector<16xf32>,
      %get3A_98 = arith.constant 1 : i32
      %get3A_99 = arith.index_cast %get3A_98 : i32 to index
      %get3A_100 = arith.constant 16 : index
      %get3A_101 = tpu.vector_load %arg10[%get3A_99, %get3A_100] {strides = array<i32>} : memref<2x128xi32, #tpu.memory_space<vmem>>, vector<16xi32>,
      tpu.vector_store_idx %arg13[%get3A_101], %broadcast_in_dim3A_5 {add = true} : memref<6144xf32, #tpu.memory_space<vmem>>[vector<16xi32>], vector<16xf32>,
      %get3A_102 = arith.constant 1 : i32
      %get3A_103 = arith.index_cast %get3A_102 : i32 to index
      %get3A_104 = arith.constant 32 : index
      %get3A_105 = tpu.vector_load %arg10[%get3A_103, %get3A_104] {strides = array<i32>} : memref<2x128xi32, #tpu.memory_space<vmem>>, vector<16xi32>,
      tpu.vector_store_idx %arg13[%get3A_105], %broadcast_in_dim3A_5 {add = true} : memref<6144xf32, #tpu.memory_space<vmem>>[vector<16xi32>], vector<16xf32>,
      %get3A_106 = arith.constant 1 : i32
      %get3A_107 = arith.index_cast %get3A_106 : i32 to index
      %get3A_108 = arith.constant 48 : index
      %get3A_109 = tpu.vector_load %arg10[%get3A_107, %get3A_108] {strides = array<i32>} : memref<2x128xi32, #tpu.memory_space<vmem>>, vector<16xi32>,
      tpu.vector_store_idx %arg13[%get3A_109], %broadcast_in_dim3A_5 {add = true} : memref<6144xf32, #tpu.memory_space<vmem>>[vector<16xi32>], vector<16xf32>,
      %get3A_110 = arith.constant 1 : i32
      %get3A_111 = arith.index_cast %get3A_110 : i32 to index
      %get3A_112 = arith.constant 64 : index
      %get3A_113 = tpu.vector_load %arg10[%get3A_111, %get3A_112] {strides = array<i32>} : memref<2x128xi32, #tpu.memory_space<vmem>>, vector<16xi32>,
      tpu.vector_store_idx %arg13[%get3A_113], %broadcast_in_dim3A_5 {add = true} : memref<6144xf32, #tpu.memory_space<vmem>>[vector<16xi32>], vector<16xf32>,
      %get3A_114 = arith.constant 1 : i32
      %get3A_115 = arith.index_cast %get3A_114 : i32 to index
      %get3A_116 = arith.constant 80 : index
      %get3A_117 = tpu.vector_load %arg10[%get3A_115, %get3A_116] {strides = array<i32>} : memref<2x128xi32, #tpu.memory_space<vmem>>, vector<16xi32>,
      tpu.vector_store_idx %arg13[%get3A_117], %broadcast_in_dim3A_5 {add = true} : memref<6144xf32, #tpu.memory_space<vmem>>[vector<16xi32>], vector<16xf32>,
      %get3A_118 = arith.constant 1 : i32
      %get3A_119 = arith.index_cast %get3A_118 : i32 to index
      %get3A_120 = arith.constant 96 : index
      %get3A_121 = tpu.vector_load %arg10[%get3A_119, %get3A_120] {strides = array<i32>} : memref<2x128xi32, #tpu.memory_space<vmem>>, vector<16xi32>,
      tpu.vector_store_idx %arg13[%get3A_121], %broadcast_in_dim3A_5 {add = true} : memref<6144xf32, #tpu.memory_space<vmem>>[vector<16xi32>], vector<16xf32>,
      %get3A_122 = arith.constant 1 : i32
      %get3A_123 = arith.index_cast %get3A_122 : i32 to index
      %get3A_124 = arith.constant 112 : index
      %get3A_125 = tpu.vector_load %arg10[%get3A_123, %get3A_124] {strides = array<i32>} : memref<2x128xi32, #tpu.memory_space<vmem>>, vector<16xi32>,
      tpu.vector_store_idx %arg13[%get3A_125], %broadcast_in_dim3A_5 {add = true} : memref<6144xf32, #tpu.memory_space<vmem>>[vector<16xi32>], vector<16xf32>,
    }
    %scan3A_19 = arith.constant 20 : i32
    "tpu.region"() ({
      %run_scoped3A_27 = tpu.sem_alloc : memref<!tpu.dma_semaphore, #tpu.memory_space<semaphore_mem>>
      %dma_start3A_28 = arith.constant 0 : i32
      %dma_start3A_29 = tpu.memref_slice %arg17[%arg1, %dma_start3A_28] : memref<16x6144xf32, #tpu.memory_space<vmem_shared>> -> memref<1x6144xf32, #tpu.memory_space<vmem_shared>>
      %dma_start3A_30 = tpu.memref_squeeze %dma_start3A_29 : memref<1x6144xf32, #tpu.memory_space<vmem_shared>> -> memref<6144xf32, #tpu.memory_space<vmem_shared>>
      %dma_start3A_31 = arith.constant 0 : i32
      %dma_start3A_32 = tpu.memref_slice %arg17[%arg1, %dma_start3A_31] : memref<16x6144xf32, #tpu.memory_space<vmem_shared>> -> memref<1x6144xf32, #tpu.memory_space<vmem_shared>>
      %dma_start3A_33 = tpu.memref_squeeze %dma_start3A_32 : memref<1x6144xf32, #tpu.memory_space<vmem_shared>> -> memref<6144xf32, #tpu.memory_space<vmem_shared>>
      tpu.enqueue_dma source(%arg13 : memref<6144xf32, #tpu.memory_space<vmem>>) target(%dma_start3A_33 : memref<6144xf32, #tpu.memory_space<vmem_shared>>) target_semaphore(%run_scoped3A_27 : memref<!tpu.dma_semaphore, #tpu.memory_space<semaphore_mem>>)
      %dma_wait3A = arith.constant 0 : i32
      %dma_wait3A_34 = tpu.memref_slice %arg17[%arg1, %dma_wait3A] : memref<16x6144xf32, #tpu.memory_space<vmem_shared>> -> memref<1x6144xf32, #tpu.memory_space<vmem_shared>>
      %dma_wait3A_35 = tpu.memref_squeeze %dma_wait3A_34 : memref<1x6144xf32, #tpu.memory_space<vmem_shared>> -> memref<6144xf32, #tpu.memory_space<vmem_shared>>
      %dma_wait3A_36 = arith.constant 0 : i32
      %dma_wait3A_37 = tpu.memref_slice %arg17[%arg1, %dma_wait3A_36] : memref<16x6144xf32, #tpu.memory_space<vmem_shared>> -> memref<1x6144xf32, #tpu.memory_space<vmem_shared>>
      %dma_wait3A_38 = tpu.memref_squeeze %dma_wait3A_37 : memref<1x6144xf32, #tpu.memory_space<vmem_shared>> -> memref<6144xf32, #tpu.memory_space<vmem_shared>>
      tpu.wait_dma2 semaphore(%run_scoped3A_27 : memref<!tpu.dma_semaphore, #tpu.memory_space<semaphore_mem>>) src(%arg13 : memref<6144xf32, #tpu.memory_space<vmem>>) dst(%dma_wait3A_38 : memref<6144xf32, #tpu.memory_space<vmem_shared>>)
      tpu.yield
    }) : () -> ()
    %barrier3A_20 = arith.constant 0 : index
    tpu.barrier barrier_id(%barrier3A_20)
    "tpu.region"() ({
      %run_scoped3A_27 = tpu.sem_alloc : memref<!tpu.dma_semaphore, #tpu.memory_space<semaphore_mem>>
      %dma_start3A_28 = arith.constant 0 : i32
      %dma_start3A_29 = tpu.memref_slice %arg17[%dma_start3A_28, %mul3A_2] : memref<16x6144xf32, #tpu.memory_space<vmem_shared>> -> memref<16x384xf32, #tpu.memory_space<vmem_shared>>
      %dma_start3A_30 = arith.constant 0 : i32
      %dma_start3A_31 = tpu.memref_slice %arg17[%dma_start3A_30, %mul3A_2] : memref<16x6144xf32, #tpu.memory_space<vmem_shared>> -> memref<16x384xf32, #tpu.memory_space<vmem_shared>>
      tpu.enqueue_dma source(%dma_start3A_31 : memref<16x384xf32, #tpu.memory_space<vmem_shared>>) target(%arg14 : memref<16x384xf32, #tpu.memory_space<vmem>>) target_semaphore(%run_scoped3A_27 : memref<!tpu.dma_semaphore, #tpu.memory_space<semaphore_mem>>)
      %dma_wait3A = arith.constant 0 : i32
      %dma_wait3A_32 = tpu.memref_slice %arg17[%dma_wait3A, %mul3A_2] : memref<16x6144xf32, #tpu.memory_space<vmem_shared>> -> memref<16x384xf32, #tpu.memory_space<vmem_shared>>
      %dma_wait3A_33 = arith.constant 0 : i32
      %dma_wait3A_34 = tpu.memref_slice %arg17[%dma_wait3A_33, %mul3A_2] : memref<16x6144xf32, #tpu.memory_space<vmem_shared>> -> memref<16x384xf32, #tpu.memory_space<vmem_shared>>
      tpu.wait_dma2 semaphore(%run_scoped3A_27 : memref<!tpu.dma_semaphore, #tpu.memory_space<semaphore_mem>>) src(%dma_wait3A_34 : memref<16x384xf32, #tpu.memory_space<vmem_shared>>) dst(%arg14 : memref<16x384xf32, #tpu.memory_space<vmem>>)
      tpu.yield
    }) : () -> ()
    %scan3A_21 = arith.constant 0 : i32
    %scan3A_22 = arith.constant 0 : i32
    %scan3A_23 = arith.constant 24 : i32
    %scan3A_24 = arith.addi %scan3A_22, %scan3A_23 : i32
    %scan3A_25 = arith.constant 1 : i32
    scf.for %scan3A_27 = %scan3A_22 to %scan3A_24 step %scan3A_25  : i32 {
      %mul3A_28 = arith.constant 16 : i32
      %mul3A_29 = arith.muli %scan3A_27, %mul3A_28 : i32
      %get3A = arith.constant 0 : i32
      %get3A_30 = arith.index_cast %get3A : i32 to index
      %get3A_31 = arith.index_cast %mul3A_29 : i32 to index
      %get3A_32 = tpu.vector_load %arg14[%get3A_30, %get3A_31] {strides = array<i32>} : memref<16x384xf32, #tpu.memory_space<vmem>>, vector<16xf32>,
      %mul3A_33 = arith.constant 16 : i32
      %mul3A_34 = arith.muli %scan3A_27, %mul3A_33 : i32
      %get3A_35 = arith.constant 1 : i32
      %get3A_36 = arith.index_cast %get3A_35 : i32 to index
      %get3A_37 = arith.index_cast %mul3A_34 : i32 to index
      %get3A_38 = tpu.vector_load %arg14[%get3A_36, %get3A_37] {strides = array<i32>} : memref<16x384xf32, #tpu.memory_space<vmem>>, vector<16xf32>,
      %add3A_39 = arith.addf %get3A_32, %get3A_38 : vector<16xf32>
      %mul3A_40 = arith.constant 16 : i32
      %mul3A_41 = arith.muli %scan3A_27, %mul3A_40 : i32
      %get3A_42 = arith.constant 2 : i32
      %get3A_43 = arith.index_cast %get3A_42 : i32 to index
      %get3A_44 = arith.index_cast %mul3A_41 : i32 to index
      %get3A_45 = tpu.vector_load %arg14[%get3A_43, %get3A_44] {strides = array<i32>} : memref<16x384xf32, #tpu.memory_space<vmem>>, vector<16xf32>,
      %add3A_46 = arith.addf %add3A_39, %get3A_45 : vector<16xf32>
      %mul3A_47 = arith.constant 16 : i32
      %mul3A_48 = arith.muli %scan3A_27, %mul3A_47 : i32
      %get3A_49 = arith.constant 3 : i32
      %get3A_50 = arith.index_cast %get3A_49 : i32 to index
      %get3A_51 = arith.index_cast %mul3A_48 : i32 to index
      %get3A_52 = tpu.vector_load %arg14[%get3A_50, %get3A_51] {strides = array<i32>} : memref<16x384xf32, #tpu.memory_space<vmem>>, vector<16xf32>,
      %add3A_53 = arith.addf %add3A_46, %get3A_52 : vector<16xf32>
      %mul3A_54 = arith.constant 16 : i32
      %mul3A_55 = arith.muli %scan3A_27, %mul3A_54 : i32
      %get3A_56 = arith.constant 4 : i32
      %get3A_57 = arith.index_cast %get3A_56 : i32 to index
      %get3A_58 = arith.index_cast %mul3A_55 : i32 to index
      %get3A_59 = tpu.vector_load %arg14[%get3A_57, %get3A_58] {strides = array<i32>} : memref<16x384xf32, #tpu.memory_space<vmem>>, vector<16xf32>,
      %add3A_60 = arith.addf %add3A_53, %get3A_59 : vector<16xf32>
      %mul3A_61 = arith.constant 16 : i32
      %mul3A_62 = arith.muli %scan3A_27, %mul3A_61 : i32
      %get3A_63 = arith.constant 5 : i32
      %get3A_64 = arith.index_cast %get3A_63 : i32 to index
      %get3A_65 = arith.index_cast %mul3A_62 : i32 to index
      %get3A_66 = tpu.vector_load %arg14[%get3A_64, %get3A_65] {strides = array<i32>} : memref<16x384xf32, #tpu.memory_space<vmem>>, vector<16xf32>,
      %add3A_67 = arith.addf %add3A_60, %get3A_66 : vector<16xf32>
      %mul3A_68 = arith.constant 16 : i32
      %mul3A_69 = arith.muli %scan3A_27, %mul3A_68 : i32
      %get3A_70 = arith.constant 6 : i32
      %get3A_71 = arith.index_cast %get3A_70 : i32 to index
      %get3A_72 = arith.index_cast %mul3A_69 : i32 to index
      %get3A_73 = tpu.vector_load %arg14[%get3A_71, %get3A_72] {strides = array<i32>} : memref<16x384xf32, #tpu.memory_space<vmem>>, vector<16xf32>,
      %add3A_74 = arith.addf %add3A_67, %get3A_73 : vector<16xf32>
      %mul3A_75 = arith.constant 16 : i32
      %mul3A_76 = arith.muli %scan3A_27, %mul3A_75 : i32
      %get3A_77 = arith.constant 7 : i32
      %get3A_78 = arith.index_cast %get3A_77 : i32 to index
      %get3A_79 = arith.index_cast %mul3A_76 : i32 to index
      %get3A_80 = tpu.vector_load %arg14[%get3A_78, %get3A_79] {strides = array<i32>} : memref<16x384xf32, #tpu.memory_space<vmem>>, vector<16xf32>,
      %add3A_81 = arith.addf %add3A_74, %get3A_80 : vector<16xf32>
      %mul3A_82 = arith.constant 16 : i32
      %mul3A_83 = arith.muli %scan3A_27, %mul3A_82 : i32
      %get3A_84 = arith.constant 8 : i32
      %get3A_85 = arith.index_cast %get3A_84 : i32 to index
      %get3A_86 = arith.index_cast %mul3A_83 : i32 to index
      %get3A_87 = tpu.vector_load %arg14[%get3A_85, %get3A_86] {strides = array<i32>} : memref<16x384xf32, #tpu.memory_space<vmem>>, vector<16xf32>,
      %add3A_88 = arith.addf %add3A_81, %get3A_87 : vector<16xf32>
      %mul3A_89 = arith.constant 16 : i32
      %mul3A_90 = arith.muli %scan3A_27, %mul3A_89 : i32
      %get3A_91 = arith.constant 9 : i32
      %get3A_92 = arith.index_cast %get3A_91 : i32 to index
      %get3A_93 = arith.index_cast %mul3A_90 : i32 to index
      %get3A_94 = tpu.vector_load %arg14[%get3A_92, %get3A_93] {strides = array<i32>} : memref<16x384xf32, #tpu.memory_space<vmem>>, vector<16xf32>,
      %add3A_95 = arith.addf %add3A_88, %get3A_94 : vector<16xf32>
      %mul3A_96 = arith.constant 16 : i32
      %mul3A_97 = arith.muli %scan3A_27, %mul3A_96 : i32
      %get3A_98 = arith.constant 10 : i32
      %get3A_99 = arith.index_cast %get3A_98 : i32 to index
      %get3A_100 = arith.index_cast %mul3A_97 : i32 to index
      %get3A_101 = tpu.vector_load %arg14[%get3A_99, %get3A_100] {strides = array<i32>} : memref<16x384xf32, #tpu.memory_space<vmem>>, vector<16xf32>,
      %add3A_102 = arith.addf %add3A_95, %get3A_101 : vector<16xf32>
      %mul3A_103 = arith.constant 16 : i32
      %mul3A_104 = arith.muli %scan3A_27, %mul3A_103 : i32
      %get3A_105 = arith.constant 11 : i32
      %get3A_106 = arith.index_cast %get3A_105 : i32 to index
      %get3A_107 = arith.index_cast %mul3A_104 : i32 to index
      %get3A_108 = tpu.vector_load %arg14[%get3A_106, %get3A_107] {strides = array<i32>} : memref<16x384xf32, #tpu.memory_space<vmem>>, vector<16xf32>,
      %add3A_109 = arith.addf %add3A_102, %get3A_108 : vector<16xf32>
      %mul3A_110 = arith.constant 16 : i32
      %mul3A_111 = arith.muli %scan3A_27, %mul3A_110 : i32
      %get3A_112 = arith.constant 12 : i32
      %get3A_113 = arith.index_cast %get3A_112 : i32 to index
      %get3A_114 = arith.index_cast %mul3A_111 : i32 to index
      %get3A_115 = tpu.vector_load %arg14[%get3A_113, %get3A_114] {strides = array<i32>} : memref<16x384xf32, #tpu.memory_space<vmem>>, vector<16xf32>,
      %add3A_116 = arith.addf %add3A_109, %get3A_115 : vector<16xf32>
      %mul3A_117 = arith.constant 16 : i32
      %mul3A_118 = arith.muli %scan3A_27, %mul3A_117 : i32
      %get3A_119 = arith.constant 13 : i32
      %get3A_120 = arith.index_cast %get3A_119 : i32 to index
      %get3A_121 = arith.index_cast %mul3A_118 : i32 to index
      %get3A_122 = tpu.vector_load %arg14[%get3A_120, %get3A_121] {strides = array<i32>} : memref<16x384xf32, #tpu.memory_space<vmem>>, vector<16xf32>,
      %add3A_123 = arith.addf %add3A_116, %get3A_122 : vector<16xf32>
      %mul3A_124 = arith.constant 16 : i32
      %mul3A_125 = arith.muli %scan3A_27, %mul3A_124 : i32
      %get3A_126 = arith.constant 14 : i32
      %get3A_127 = arith.index_cast %get3A_126 : i32 to index
      %get3A_128 = arith.index_cast %mul3A_125 : i32 to index
      %get3A_129 = tpu.vector_load %arg14[%get3A_127, %get3A_128] {strides = array<i32>} : memref<16x384xf32, #tpu.memory_space<vmem>>, vector<16xf32>,
      %add3A_130 = arith.addf %add3A_123, %get3A_129 : vector<16xf32>
      %mul3A_131 = arith.constant 16 : i32
      %mul3A_132 = arith.muli %scan3A_27, %mul3A_131 : i32
      %get3A_133 = arith.constant 15 : i32
      %get3A_134 = arith.index_cast %get3A_133 : i32 to index
      %get3A_135 = arith.index_cast %mul3A_132 : i32 to index
      %get3A_136 = tpu.vector_load %arg14[%get3A_134, %get3A_135] {strides = array<i32>} : memref<16x384xf32, #tpu.memory_space<vmem>>, vector<16xf32>,
      %add3A_137 = arith.addf %add3A_130, %get3A_136 : vector<16xf32>
      %mul3A_138 = arith.constant 16 : i32
      %mul3A_139 = arith.muli %scan3A_27, %mul3A_138 : i32
      %swap3A = arith.index_cast %mul3A_139 : i32 to index
      %swap3A_140 = tpu.vector_load %arg15[%swap3A] {strides = array<i32>} : memref<384xf32, #tpu.memory_space<vmem>>, vector<16xf32>,
      tpu.vector_store %arg15[%swap3A], %add3A_137 {strides = array<i32>} : memref<384xf32, #tpu.memory_space<vmem>>, vector<16xf32>,
    }
    %scan3A_26 = arith.constant 24 : i32
    "tpu.region"() ({
      %run_scoped3A_27 = tpu.sem_alloc : memref<!tpu.dma_semaphore, #tpu.memory_space<semaphore_mem>>
      %dma_start3A_28 = arith.constant 0 : i32
      %dma_start3A_29 = arith.constant 0 : i32
      %dma_start3A_30 = tpu.memref_slice %arg7[%arg0, %dma_start3A_28, %dma_start3A_29] : memref<2x6144x128xf32, #tpu.memory_space<hbm>> -> memref<1x6144x128xf32, #tpu.memory_space<hbm>>
      %dma_start3A_31 = tpu.memref_squeeze %dma_start3A_30 : memref<1x6144x128xf32, #tpu.memory_space<hbm>> -> memref<6144x128xf32, #tpu.memory_space<hbm>>
      %dma_start3A_32 = arith.constant 0 : i32
      %dma_start3A_33 = tpu.memref_slice %dma_start3A_31[%mul3A_2, %dma_start3A_32] : memref<6144x128xf32, #tpu.memory_space<hbm>> -> memref<384x128xf32, #tpu.memory_space<hbm>>
      %dma_start3A_34 = arith.constant 0 : i32
      %dma_start3A_35 = tpu.memref_slice %arg16[%mul3A_2, %dma_start3A_34] : memref<6144x128xf32, #tpu.memory_space<vmem_shared>> -> memref<384x128xf32, #tpu.memory_space<vmem_shared>>
      tpu.enqueue_dma source(%dma_start3A_35 : memref<384x128xf32, #tpu.memory_space<vmem_shared>>) target(%dma_start3A_33 : memref<384x128xf32, #tpu.memory_space<hbm>>) target_semaphore(%run_scoped3A_27 : memref<!tpu.dma_semaphore, #tpu.memory_space<semaphore_mem>>)
      %dma_wait3A = arith.constant 0 : i32
      %dma_wait3A_36 = arith.constant 0 : i32
      %dma_wait3A_37 = tpu.memref_slice %arg7[%arg0, %dma_wait3A, %dma_wait3A_36] : memref<2x6144x128xf32, #tpu.memory_space<hbm>> -> memref<1x6144x128xf32, #tpu.memory_space<hbm>>
      %dma_wait3A_38 = tpu.memref_squeeze %dma_wait3A_37 : memref<1x6144x128xf32, #tpu.memory_space<hbm>> -> memref<6144x128xf32, #tpu.memory_space<hbm>>
      %dma_wait3A_39 = arith.constant 0 : i32
      %dma_wait3A_40 = tpu.memref_slice %dma_wait3A_38[%mul3A_2, %dma_wait3A_39] : memref<6144x128xf32, #tpu.memory_space<hbm>> -> memref<384x128xf32, #tpu.memory_space<hbm>>
      %dma_wait3A_41 = arith.constant 0 : i32
      %dma_wait3A_42 = tpu.memref_slice %arg16[%mul3A_2, %dma_wait3A_41] : memref<6144x128xf32, #tpu.memory_space<vmem_shared>> -> memref<384x128xf32, #tpu.memory_space<vmem_shared>>
      tpu.wait_dma2 semaphore(%run_scoped3A_27 : memref<!tpu.dma_semaphore, #tpu.memory_space<semaphore_mem>>) src(%dma_wait3A_42 : memref<384x128xf32, #tpu.memory_space<vmem_shared>>) dst(%dma_wait3A_40 : memref<384x128xf32, #tpu.memory_space<hbm>>)
      tpu.yield
    }) : () -> ()
    "tpu.region"() ({
      %run_scoped3A_27 = tpu.sem_alloc : memref<!tpu.dma_semaphore, #tpu.memory_space<semaphore_mem>>
      %dma_start3A_28 = arith.constant 0 : i32
      %dma_start3A_29 = tpu.memref_slice %arg8[%arg0, %dma_start3A_28] : memref<2x6144xf32, #tpu.memory_space<hbm>> -> memref<1x6144xf32, #tpu.memory_space<hbm>>
      %dma_start3A_30 = tpu.memref_squeeze %dma_start3A_29 : memref<1x6144xf32, #tpu.memory_space<hbm>> -> memref<6144xf32, #tpu.memory_space<hbm>>
      %dma_start3A_31 = tpu.memref_slice %dma_start3A_30[%mul3A_2] : memref<6144xf32, #tpu.memory_space<hbm>> -> memref<384xf32, #tpu.memory_space<hbm>>
      %dma_start3A_32 = arith.constant 0 : i32
      %dma_start3A_33 = tpu.memref_slice %arg8[%arg0, %dma_start3A_32] : memref<2x6144xf32, #tpu.memory_space<hbm>> -> memref<1x6144xf32, #tpu.memory_space<hbm>>
      %dma_start3A_34 = tpu.memref_squeeze %dma_start3A_33 : memref<1x6144xf32, #tpu.memory_space<hbm>> -> memref<6144xf32, #tpu.memory_space<hbm>>
      %dma_start3A_35 = tpu.memref_slice %dma_start3A_34[%mul3A_2] : memref<6144xf32, #tpu.memory_space<hbm>> -> memref<384xf32, #tpu.memory_space<hbm>>
      tpu.enqueue_dma source(%arg15 : memref<384xf32, #tpu.memory_space<vmem>>) target(%dma_start3A_35 : memref<384xf32, #tpu.memory_space<hbm>>) target_semaphore(%run_scoped3A_27 : memref<!tpu.dma_semaphore, #tpu.memory_space<semaphore_mem>>)
      %dma_wait3A = arith.constant 0 : i32
      %dma_wait3A_36 = tpu.memref_slice %arg8[%arg0, %dma_wait3A] : memref<2x6144xf32, #tpu.memory_space<hbm>> -> memref<1x6144xf32, #tpu.memory_space<hbm>>
      %dma_wait3A_37 = tpu.memref_squeeze %dma_wait3A_36 : memref<1x6144xf32, #tpu.memory_space<hbm>> -> memref<6144xf32, #tpu.memory_space<hbm>>
      %dma_wait3A_38 = tpu.memref_slice %dma_wait3A_37[%mul3A_2] : memref<6144xf32, #tpu.memory_space<hbm>> -> memref<384xf32, #tpu.memory_space<hbm>>
      %dma_wait3A_39 = arith.constant 0 : i32
      %dma_wait3A_40 = tpu.memref_slice %arg8[%arg0, %dma_wait3A_39] : memref<2x6144xf32, #tpu.memory_space<hbm>> -> memref<1x6144xf32, #tpu.memory_space<hbm>>
      %dma_wait3A_41 = tpu.memref_squeeze %dma_wait3A_40 : memref<1x6144xf32, #tpu.memory_space<hbm>> -> memref<6144xf32, #tpu.memory_space<hbm>>
      %dma_wait3A_42 = tpu.memref_slice %dma_wait3A_41[%mul3A_2] : memref<6144xf32, #tpu.memory_space<hbm>> -> memref<384xf32, #tpu.memory_space<hbm>>
      tpu.wait_dma2 semaphore(%run_scoped3A_27 : memref<!tpu.dma_semaphore, #tpu.memory_space<semaphore_mem>>) src(%arg15 : memref<384xf32, #tpu.memory_space<vmem>>) dst(%dma_wait3A_42 : memref<384xf32, #tpu.memory_space<hbm>>)
      tpu.yield
    }) : () -> ()
    return
  }
}

#map = affine_map<(d0, d1) -> (0, 0)>
#map1 = affine_map<(d0, d1) -> (0)>
#map2 = affine_map<(d0, d1) -> (0, 0, 0)>
module attributes {stable_mosaic.version = 14 : i64} {
  func.func @seg_sum(%arg0: i32, %arg1: i32, %arg2: memref<5000x128xf32, #tpu.memory_space<hbm>>, %arg3: memref<65536xi32, #tpu.memory_space<hbm>>, %arg4: memref<65536xi32, #tpu.memory_space<hbm>>, %arg5: memref<128x128xf32, #tpu.memory_space<hbm>>, %arg6: memref<2048xf32, #tpu.memory_space<hbm>>, %arg7: memref<2x2048x128xf32, #tpu.memory_space<hbm>>, %arg8: memref<2x2048xf32, #tpu.memory_space<hbm>>, %arg9: memref<2x128xi32, #tpu.memory_space<vmem>>, %arg10: memref<2x128xi32, #tpu.memory_space<vmem>>, %arg11: memref<128x128xf32, #tpu.memory_space<vmem>>, %arg12: memref<128x128xf32, #tpu.memory_space<vmem>>, %arg13: memref<2048xf32, #tpu.memory_space<vmem>>, %arg14: memref<16x128xf32, #tpu.memory_space<vmem>>, %arg15: memref<128xf32, #tpu.memory_space<vmem>>, %arg16: memref<2048x128xf32, #tpu.memory_space<vmem_shared>>, %arg17: memref<16x2048xf32, #tpu.memory_space<vmem_shared>>, %arg18: memref<!tpu.dma_semaphore, #tpu.memory_space<semaphore_mem>>, %arg19: memref<!tpu.dma_semaphore, #tpu.memory_space<semaphore_mem>>) attributes {dimension_semantics = [#tpu.dimension_semantics<core_parallel>, #tpu.dimension_semantics<subcore_parallel>], iteration_bounds = array<i64: 2, 16>, scalar_prefetch = 0 : i64, scratch_operands = 11 : i64, tpu.core_type = #tpu.core_type<sc_vector_subcore>, window_params = [{transform_indices = #map}, {transform_indices = #map1}, {transform_indices = #map1}, {transform_indices = #map}, {transform_indices = #map1}, {transform_indices = #map2}, {transform_indices = #map}]} {
    %mul3A = arith.constant 2 : i32
    %mul3A_0 = arith.muli %arg1, %mul3A : i32
    %add3A = arith.addi %mul3A_0, %arg0 : i32
    %mul3A_1 = arith.constant 128 : i32
    %mul3A_2 = arith.muli %arg1, %mul3A_1 : i32
    "tpu.region"() ({
      %run_scoped3A_27 = tpu.sem_alloc : memref<!tpu.dma_semaphore, #tpu.memory_space<semaphore_mem>>
      %dma_start3A_28 = arith.constant 0 : i32
      %dma_start3A_29 = tpu.memref_slice %arg16[%mul3A_2, %dma_start3A_28] : memref<2048x128xf32, #tpu.memory_space<vmem_shared>> -> memref<128x128xf32, #tpu.memory_space<vmem_shared>>
      tpu.enqueue_dma source(%arg5 : memref<128x128xf32, #tpu.memory_space<hbm>>) target(%dma_start3A_29 : memref<128x128xf32, #tpu.memory_space<vmem_shared>>) target_semaphore(%run_scoped3A_27 : memref<!tpu.dma_semaphore, #tpu.memory_space<semaphore_mem>>)
      %dma_wait3A = arith.constant 0 : i32
      %dma_wait3A_30 = tpu.memref_slice %arg16[%mul3A_2, %dma_wait3A] : memref<2048x128xf32, #tpu.memory_space<vmem_shared>> -> memref<128x128xf32, #tpu.memory_space<vmem_shared>>
      tpu.wait_dma2 semaphore(%run_scoped3A_27 : memref<!tpu.dma_semaphore, #tpu.memory_space<semaphore_mem>>) src(%arg5 : memref<128x128xf32, #tpu.memory_space<hbm>>) dst(%dma_wait3A_30 : memref<128x128xf32, #tpu.memory_space<vmem_shared>>)
      tpu.yield
    }) : () -> ()
    "tpu.region"() ({
      %run_scoped3A_27 = tpu.sem_alloc : memref<!tpu.dma_semaphore, #tpu.memory_space<semaphore_mem>>
      tpu.enqueue_dma source(%arg6 : memref<2048xf32, #tpu.memory_space<hbm>>) target(%arg13 : memref<2048xf32, #tpu.memory_space<vmem>>) target_semaphore(%run_scoped3A_27 : memref<!tpu.dma_semaphore, #tpu.memory_space<semaphore_mem>>)
      tpu.wait_dma2 semaphore(%run_scoped3A_27 : memref<!tpu.dma_semaphore, #tpu.memory_space<semaphore_mem>>) src(%arg6 : memref<2048xf32, #tpu.memory_space<hbm>>) dst(%arg13 : memref<2048xf32, #tpu.memory_space<vmem>>)
      tpu.yield
    }) : () -> ()
    %barrier3A = arith.constant 0 : index
    tpu.barrier barrier_id(%barrier3A)
    %mul3A_3 = arith.constant 2048 : i32
    %mul3A_4 = arith.muli %add3A, %mul3A_3 : i32
    %broadcast_in_dim3A = arith.constant 1.000000e+00 : f32
    %broadcast_in_dim3A_5 = vector.broadcast %broadcast_in_dim3A : f32 to vector<16xf32>
    %add3A_6 = arith.constant 0 : i32
    %add3A_7 = arith.addi %mul3A_4, %add3A_6 : i32
    %run_scoped3A = arith.constant 0 : i32
    "tpu.region"() ({
      %run_scoped3A_27 = tpu.sem_alloc : memref<!tpu.dma_semaphore, #tpu.memory_space<semaphore_mem>>
      %dma_start3A_28 = arith.constant 0 : i32
      %dma_start3A_29 = tpu.memref_slice %arg9[%run_scoped3A, %dma_start3A_28] : memref<2x128xi32, #tpu.memory_space<vmem>> -> memref<1x128xi32, #tpu.memory_space<vmem>>
      %dma_start3A_30 = tpu.memref_squeeze %dma_start3A_29 : memref<1x128xi32, #tpu.memory_space<vmem>> -> memref<128xi32, #tpu.memory_space<vmem>>
      %dma_start3A_31 = tpu.memref_slice %arg3[%add3A_7] : memref<65536xi32, #tpu.memory_space<hbm>> -> memref<128xi32, #tpu.memory_space<hbm>>
      %dma_start3A_32 = arith.constant 0 : i32
      %dma_start3A_33 = tpu.memref_slice %arg9[%run_scoped3A, %dma_start3A_32] : memref<2x128xi32, #tpu.memory_space<vmem>> -> memref<1x128xi32, #tpu.memory_space<vmem>>
      %dma_start3A_34 = tpu.memref_squeeze %dma_start3A_33 : memref<1x128xi32, #tpu.memory_space<vmem>> -> memref<128xi32, #tpu.memory_space<vmem>>
      %dma_start3A_35 = tpu.memref_slice %arg3[%add3A_7] : memref<65536xi32, #tpu.memory_space<hbm>> -> memref<128xi32, #tpu.memory_space<hbm>>
      tpu.enqueue_dma source(%dma_start3A_35 : memref<128xi32, #tpu.memory_space<hbm>>) target(%dma_start3A_34 : memref<128xi32, #tpu.memory_space<vmem>>) target_semaphore(%run_scoped3A_27 : memref<!tpu.dma_semaphore, #tpu.memory_space<semaphore_mem>>)
      %dma_wait3A = arith.constant 0 : i32
      %dma_wait3A_36 = tpu.memref_slice %arg9[%run_scoped3A, %dma_wait3A] : memref<2x128xi32, #tpu.memory_space<vmem>> -> memref<1x128xi32, #tpu.memory_space<vmem>>
      %dma_wait3A_37 = tpu.memref_squeeze %dma_wait3A_36 : memref<1x128xi32, #tpu.memory_space<vmem>> -> memref<128xi32, #tpu.memory_space<vmem>>
      %dma_wait3A_38 = tpu.memref_slice %arg3[%add3A_7] : memref<65536xi32, #tpu.memory_space<hbm>> -> memref<128xi32, #tpu.memory_space<hbm>>
      %dma_wait3A_39 = arith.constant 0 : i32
      %dma_wait3A_40 = tpu.memref_slice %arg9[%run_scoped3A, %dma_wait3A_39] : memref<2x128xi32, #tpu.memory_space<vmem>> -> memref<1x128xi32, #tpu.memory_space<vmem>>
      %dma_wait3A_41 = tpu.memref_squeeze %dma_wait3A_40 : memref<1x128xi32, #tpu.memory_space<vmem>> -> memref<128xi32, #tpu.memory_space<vmem>>
      %dma_wait3A_42 = tpu.memref_slice %arg3[%add3A_7] : memref<65536xi32, #tpu.memory_space<hbm>> -> memref<128xi32, #tpu.memory_space<hbm>>
      tpu.wait_dma2 semaphore(%run_scoped3A_27 : memref<!tpu.dma_semaphore, #tpu.memory_space<semaphore_mem>>) src(%dma_wait3A_42 : memref<128xi32, #tpu.memory_space<hbm>>) dst(%dma_wait3A_41 : memref<128xi32, #tpu.memory_space<vmem>>)
      tpu.yield
    }) : () -> ()
    %run_scoped3A_8 = arith.constant 0 : i32
    "tpu.region"() ({
      %run_scoped3A_27 = tpu.sem_alloc : memref<!tpu.dma_semaphore, #tpu.memory_space<semaphore_mem>>
      %dma_start3A_28 = arith.constant 0 : i32
      %dma_start3A_29 = tpu.memref_slice %arg10[%run_scoped3A_8, %dma_start3A_28] : memref<2x128xi32, #tpu.memory_space<vmem>> -> memref<1x128xi32, #tpu.memory_space<vmem>>
      %dma_start3A_30 = tpu.memref_squeeze %dma_start3A_29 : memref<1x128xi32, #tpu.memory_space<vmem>> -> memref<128xi32, #tpu.memory_space<vmem>>
      %dma_start3A_31 = tpu.memref_slice %arg4[%add3A_7] : memref<65536xi32, #tpu.memory_space<hbm>> -> memref<128xi32, #tpu.memory_space<hbm>>
      %dma_start3A_32 = arith.constant 0 : i32
      %dma_start3A_33 = tpu.memref_slice %arg10[%run_scoped3A_8, %dma_start3A_32] : memref<2x128xi32, #tpu.memory_space<vmem>> -> memref<1x128xi32, #tpu.memory_space<vmem>>
      %dma_start3A_34 = tpu.memref_squeeze %dma_start3A_33 : memref<1x128xi32, #tpu.memory_space<vmem>> -> memref<128xi32, #tpu.memory_space<vmem>>
      %dma_start3A_35 = tpu.memref_slice %arg4[%add3A_7] : memref<65536xi32, #tpu.memory_space<hbm>> -> memref<128xi32, #tpu.memory_space<hbm>>
      tpu.enqueue_dma source(%dma_start3A_35 : memref<128xi32, #tpu.memory_space<hbm>>) target(%dma_start3A_34 : memref<128xi32, #tpu.memory_space<vmem>>) target_semaphore(%run_scoped3A_27 : memref<!tpu.dma_semaphore, #tpu.memory_space<semaphore_mem>>)
      %dma_wait3A = arith.constant 0 : i32
      %dma_wait3A_36 = tpu.memref_slice %arg10[%run_scoped3A_8, %dma_wait3A] : memref<2x128xi32, #tpu.memory_space<vmem>> -> memref<1x128xi32, #tpu.memory_space<vmem>>
      %dma_wait3A_37 = tpu.memref_squeeze %dma_wait3A_36 : memref<1x128xi32, #tpu.memory_space<vmem>> -> memref<128xi32, #tpu.memory_space<vmem>>
      %dma_wait3A_38 = tpu.memref_slice %arg4[%add3A_7] : memref<65536xi32, #tpu.memory_space<hbm>> -> memref<128xi32, #tpu.memory_space<hbm>>
      %dma_wait3A_39 = arith.constant 0 : i32
      %dma_wait3A_40 = tpu.memref_slice %arg10[%run_scoped3A_8, %dma_wait3A_39] : memref<2x128xi32, #tpu.memory_space<vmem>> -> memref<1x128xi32, #tpu.memory_space<vmem>>
      %dma_wait3A_41 = tpu.memref_squeeze %dma_wait3A_40 : memref<1x128xi32, #tpu.memory_space<vmem>> -> memref<128xi32, #tpu.memory_space<vmem>>
      %dma_wait3A_42 = tpu.memref_slice %arg4[%add3A_7] : memref<65536xi32, #tpu.memory_space<hbm>> -> memref<128xi32, #tpu.memory_space<hbm>>
      tpu.wait_dma2 semaphore(%run_scoped3A_27 : memref<!tpu.dma_semaphore, #tpu.memory_space<semaphore_mem>>) src(%dma_wait3A_42 : memref<128xi32, #tpu.memory_space<hbm>>) dst(%dma_wait3A_41 : memref<128xi32, #tpu.memory_space<vmem>>)
      tpu.yield
    }) : () -> ()
    %dma_start3A = arith.constant 0 : i32
    %dma_start3A_9 = arith.constant 0 : i32
    %dma_start3A_10 = tpu.memref_slice %arg9[%dma_start3A, %dma_start3A_9] : memref<2x128xi32, #tpu.memory_space<vmem>> -> memref<1x128xi32, #tpu.memory_space<vmem>>
    %dma_start3A_11 = tpu.memref_squeeze %dma_start3A_10 : memref<1x128xi32, #tpu.memory_space<vmem>> -> memref<128xi32, #tpu.memory_space<vmem>>
    %dma_start3A_12 = arith.constant 0 : i32
    %dma_start3A_13 = arith.constant 0 : i32
    %dma_start3A_14 = tpu.memref_slice %arg2[%dma_start3A_12, %dma_start3A_13] : memref<5000x128xf32, #tpu.memory_space<hbm>> -> memref<5000x128xf32, #tpu.memory_space<hbm>>
    tpu.enqueue_indirect_dma source(%dma_start3A_14 : memref<5000x128xf32, #tpu.memory_space<hbm>>) target(%arg11 : memref<128x128xf32, #tpu.memory_space<vmem>>) offsets(%dma_start3A_11 : memref<128xi32, #tpu.memory_space<vmem>>) semaphore(%arg18 : memref<!tpu.dma_semaphore, #tpu.memory_space<semaphore_mem>>)
    %scan3A = arith.constant 0 : i32
    %scan3A_15 = arith.constant 0 : i32
    %scan3A_16 = arith.constant 8 : i32
    %scan3A_17 = arith.addi %scan3A_15, %scan3A_16 : i32
    %scan3A_18 = arith.constant 1 : i32
    scf.for %scan3A_27 = %scan3A_15 to %scan3A_17 step %scan3A_18  : i32 {
      %mul3A_28 = arith.constant 2 : i32
      %mul3A_29 = arith.muli %mul3A_28, %scan3A_27 : i32
      %add3A_30 = arith.constant 1 : i32
      %add3A_31 = arith.addi %mul3A_29, %add3A_30 : i32
      %mul3A_32 = arith.constant 128 : i32
      %mul3A_33 = arith.muli %add3A_31, %mul3A_32 : i32
      %add3A_34 = arith.addi %mul3A_4, %mul3A_33 : i32
      %run_scoped3A_35 = arith.constant 1 : i32
      "tpu.region"() ({
        %run_scoped3A_126 = tpu.sem_alloc : memref<!tpu.dma_semaphore, #tpu.memory_space<semaphore_mem>>
        %dma_start3A_127 = arith.constant 0 : i32
        %dma_start3A_128 = tpu.memref_slice %arg9[%run_scoped3A_35, %dma_start3A_127] : memref<2x128xi32, #tpu.memory_space<vmem>> -> memref<1x128xi32, #tpu.memory_space<vmem>>
        %dma_start3A_129 = tpu.memref_squeeze %dma_start3A_128 : memref<1x128xi32, #tpu.memory_space<vmem>> -> memref<128xi32, #tpu.memory_space<vmem>>
        %dma_start3A_130 = tpu.memref_slice %arg3[%add3A_34] : memref<65536xi32, #tpu.memory_space<hbm>> -> memref<128xi32, #tpu.memory_space<hbm>>
        %dma_start3A_131 = arith.constant 0 : i32
        %dma_start3A_132 = tpu.memref_slice %arg9[%run_scoped3A_35, %dma_start3A_131] : memref<2x128xi32, #tpu.memory_space<vmem>> -> memref<1x128xi32, #tpu.memory_space<vmem>>
        %dma_start3A_133 = tpu.memref_squeeze %dma_start3A_132 : memref<1x128xi32, #tpu.memory_space<vmem>> -> memref<128xi32, #tpu.memory_space<vmem>>
        %dma_start3A_134 = tpu.memref_slice %arg3[%add3A_34] : memref<65536xi32, #tpu.memory_space<hbm>> -> memref<128xi32, #tpu.memory_space<hbm>>
        tpu.enqueue_dma source(%dma_start3A_134 : memref<128xi32, #tpu.memory_space<hbm>>) target(%dma_start3A_133 : memref<128xi32, #tpu.memory_space<vmem>>) target_semaphore(%run_scoped3A_126 : memref<!tpu.dma_semaphore, #tpu.memory_space<semaphore_mem>>)
        %dma_wait3A_135 = arith.constant 0 : i32
        %dma_wait3A_136 = tpu.memref_slice %arg9[%run_scoped3A_35, %dma_wait3A_135] : memref<2x128xi32, #tpu.memory_space<vmem>> -> memref<1x128xi32, #tpu.memory_space<vmem>>
        %dma_wait3A_137 = tpu.memref_squeeze %dma_wait3A_136 : memref<1x128xi32, #tpu.memory_space<vmem>> -> memref<128xi32, #tpu.memory_space<vmem>>
        %dma_wait3A_138 = tpu.memref_slice %arg3[%add3A_34] : memref<65536xi32, #tpu.memory_space<hbm>> -> memref<128xi32, #tpu.memory_space<hbm>>
        %dma_wait3A_139 = arith.constant 0 : i32
        %dma_wait3A_140 = tpu.memref_slice %arg9[%run_scoped3A_35, %dma_wait3A_139] : memref<2x128xi32, #tpu.memory_space<vmem>> -> memref<1x128xi32, #tpu.memory_space<vmem>>
        %dma_wait3A_141 = tpu.memref_squeeze %dma_wait3A_140 : memref<1x128xi32, #tpu.memory_space<vmem>> -> memref<128xi32, #tpu.memory_space<vmem>>
        %dma_wait3A_142 = tpu.memref_slice %arg3[%add3A_34] : memref<65536xi32, #tpu.memory_space<hbm>> -> memref<128xi32, #tpu.memory_space<hbm>>
        tpu.wait_dma2 semaphore(%run_scoped3A_126 : memref<!tpu.dma_semaphore, #tpu.memory_space<semaphore_mem>>) src(%dma_wait3A_142 : memref<128xi32, #tpu.memory_space<hbm>>) dst(%dma_wait3A_141 : memref<128xi32, #tpu.memory_space<vmem>>)
        tpu.yield
      }) : () -> ()
      %run_scoped3A_36 = arith.constant 1 : i32
      "tpu.region"() ({
        %run_scoped3A_126 = tpu.sem_alloc : memref<!tpu.dma_semaphore, #tpu.memory_space<semaphore_mem>>
        %dma_start3A_127 = arith.constant 0 : i32
        %dma_start3A_128 = tpu.memref_slice %arg10[%run_scoped3A_36, %dma_start3A_127] : memref<2x128xi32, #tpu.memory_space<vmem>> -> memref<1x128xi32, #tpu.memory_space<vmem>>
        %dma_start3A_129 = tpu.memref_squeeze %dma_start3A_128 : memref<1x128xi32, #tpu.memory_space<vmem>> -> memref<128xi32, #tpu.memory_space<vmem>>
        %dma_start3A_130 = tpu.memref_slice %arg4[%add3A_34] : memref<65536xi32, #tpu.memory_space<hbm>> -> memref<128xi32, #tpu.memory_space<hbm>>
        %dma_start3A_131 = arith.constant 0 : i32
        %dma_start3A_132 = tpu.memref_slice %arg10[%run_scoped3A_36, %dma_start3A_131] : memref<2x128xi32, #tpu.memory_space<vmem>> -> memref<1x128xi32, #tpu.memory_space<vmem>>
        %dma_start3A_133 = tpu.memref_squeeze %dma_start3A_132 : memref<1x128xi32, #tpu.memory_space<vmem>> -> memref<128xi32, #tpu.memory_space<vmem>>
        %dma_start3A_134 = tpu.memref_slice %arg4[%add3A_34] : memref<65536xi32, #tpu.memory_space<hbm>> -> memref<128xi32, #tpu.memory_space<hbm>>
        tpu.enqueue_dma source(%dma_start3A_134 : memref<128xi32, #tpu.memory_space<hbm>>) target(%dma_start3A_133 : memref<128xi32, #tpu.memory_space<vmem>>) target_semaphore(%run_scoped3A_126 : memref<!tpu.dma_semaphore, #tpu.memory_space<semaphore_mem>>)
        %dma_wait3A_135 = arith.constant 0 : i32
        %dma_wait3A_136 = tpu.memref_slice %arg10[%run_scoped3A_36, %dma_wait3A_135] : memref<2x128xi32, #tpu.memory_space<vmem>> -> memref<1x128xi32, #tpu.memory_space<vmem>>
        %dma_wait3A_137 = tpu.memref_squeeze %dma_wait3A_136 : memref<1x128xi32, #tpu.memory_space<vmem>> -> memref<128xi32, #tpu.memory_space<vmem>>
        %dma_wait3A_138 = tpu.memref_slice %arg4[%add3A_34] : memref<65536xi32, #tpu.memory_space<hbm>> -> memref<128xi32, #tpu.memory_space<hbm>>
        %dma_wait3A_139 = arith.constant 0 : i32
        %dma_wait3A_140 = tpu.memref_slice %arg10[%run_scoped3A_36, %dma_wait3A_139] : memref<2x128xi32, #tpu.memory_space<vmem>> -> memref<1x128xi32, #tpu.memory_space<vmem>>
        %dma_wait3A_141 = tpu.memref_squeeze %dma_wait3A_140 : memref<1x128xi32, #tpu.memory_space<vmem>> -> memref<128xi32, #tpu.memory_space<vmem>>
        %dma_wait3A_142 = tpu.memref_slice %arg4[%add3A_34] : memref<65536xi32, #tpu.memory_space<hbm>> -> memref<128xi32, #tpu.memory_space<hbm>>
        tpu.wait_dma2 semaphore(%run_scoped3A_126 : memref<!tpu.dma_semaphore, #tpu.memory_space<semaphore_mem>>) src(%dma_wait3A_142 : memref<128xi32, #tpu.memory_space<hbm>>) dst(%dma_wait3A_141 : memref<128xi32, #tpu.memory_space<vmem>>)
        tpu.yield
      }) : () -> ()
      %dma_start3A_37 = arith.constant 1 : i32
      %dma_start3A_38 = arith.constant 0 : i32
      %dma_start3A_39 = tpu.memref_slice %arg9[%dma_start3A_37, %dma_start3A_38] : memref<2x128xi32, #tpu.memory_space<vmem>> -> memref<1x128xi32, #tpu.memory_space<vmem>>
      %dma_start3A_40 = tpu.memref_squeeze %dma_start3A_39 : memref<1x128xi32, #tpu.memory_space<vmem>> -> memref<128xi32, #tpu.memory_space<vmem>>
      %dma_start3A_41 = arith.constant 0 : i32
      %dma_start3A_42 = arith.constant 0 : i32
      %dma_start3A_43 = tpu.memref_slice %arg2[%dma_start3A_41, %dma_start3A_42] : memref<5000x128xf32, #tpu.memory_space<hbm>> -> memref<5000x128xf32, #tpu.memory_space<hbm>>
      tpu.enqueue_indirect_dma source(%dma_start3A_43 : memref<5000x128xf32, #tpu.memory_space<hbm>>) target(%arg12 : memref<128x128xf32, #tpu.memory_space<vmem>>) offsets(%dma_start3A_40 : memref<128xi32, #tpu.memory_space<vmem>>) semaphore(%arg19 : memref<!tpu.dma_semaphore, #tpu.memory_space<semaphore_mem>>)
      %dma_wait3A = arith.constant 0 : i32
      %dma_wait3A_44 = arith.constant 0 : i32
      %dma_wait3A_45 = tpu.memref_slice %arg9[%dma_wait3A, %dma_wait3A_44] : memref<2x128xi32, #tpu.memory_space<vmem>> -> memref<1x128xi32, #tpu.memory_space<vmem>>
      %dma_wait3A_46 = tpu.memref_squeeze %dma_wait3A_45 : memref<1x128xi32, #tpu.memory_space<vmem>> -> memref<128xi32, #tpu.memory_space<vmem>>
      %dma_wait3A_47 = arith.constant 0 : i32
      %dma_wait3A_48 = arith.constant 0 : i32
      %dma_wait3A_49 = tpu.memref_slice %arg2[%dma_wait3A_47, %dma_wait3A_48] : memref<5000x128xf32, #tpu.memory_space<hbm>> -> memref<5000x128xf32, #tpu.memory_space<hbm>>
      tpu.wait_indirect_dma semaphore(%arg18 : memref<!tpu.dma_semaphore, #tpu.memory_space<semaphore_mem>>) src(%dma_wait3A_49 : memref<5000x128xf32, #tpu.memory_space<hbm>>) dst(%arg11 : memref<128x128xf32, #tpu.memory_space<vmem>>)
      %run_scoped3A_50 = arith.constant 0 : i32
      "tpu.region"() ({
        %run_scoped3A_126 = tpu.sem_alloc : memref<!tpu.dma_semaphore, #tpu.memory_space<semaphore_mem>>
        %dma_start3A_127 = arith.constant 0 : i32
        %dma_start3A_128 = tpu.memref_slice %arg10[%run_scoped3A_50, %dma_start3A_127] : memref<2x128xi32, #tpu.memory_space<vmem>> -> memref<1x128xi32, #tpu.memory_space<vmem>>
        %dma_start3A_129 = tpu.memref_squeeze %dma_start3A_128 : memref<1x128xi32, #tpu.memory_space<vmem>> -> memref<128xi32, #tpu.memory_space<vmem>>
        %dma_start3A_130 = arith.constant 0 : i32
        %dma_start3A_131 = arith.constant 0 : i32
        %dma_start3A_132 = tpu.memref_slice %arg16[%dma_start3A_130, %dma_start3A_131] : memref<2048x128xf32, #tpu.memory_space<vmem_shared>> -> memref<2048x128xf32, #tpu.memory_space<vmem_shared>>
        tpu.enqueue_indirect_dma source(%arg11 : memref<128x128xf32, #tpu.memory_space<vmem>>) target(%dma_start3A_132 : memref<2048x128xf32, #tpu.memory_space<vmem_shared>>) offsets(%dma_start3A_129 : memref<128xi32, #tpu.memory_space<vmem>>) semaphore(%run_scoped3A_126 : memref<!tpu.dma_semaphore, #tpu.memory_space<semaphore_mem>>) {add = true}
        %dma_wait3A_133 = arith.constant 0 : i32
        %dma_wait3A_134 = tpu.memref_slice %arg10[%run_scoped3A_50, %dma_wait3A_133] : memref<2x128xi32, #tpu.memory_space<vmem>> -> memref<1x128xi32, #tpu.memory_space<vmem>>
        %dma_wait3A_135 = tpu.memref_squeeze %dma_wait3A_134 : memref<1x128xi32, #tpu.memory_space<vmem>> -> memref<128xi32, #tpu.memory_space<vmem>>
        %dma_wait3A_136 = arith.constant 0 : i32
        %dma_wait3A_137 = arith.constant 0 : i32
        %dma_wait3A_138 = tpu.memref_slice %arg16[%dma_wait3A_136, %dma_wait3A_137] : memref<2048x128xf32, #tpu.memory_space<vmem_shared>> -> memref<2048x128xf32, #tpu.memory_space<vmem_shared>>
        tpu.wait_indirect_dma semaphore(%run_scoped3A_126 : memref<!tpu.dma_semaphore, #tpu.memory_space<semaphore_mem>>) src(%arg11 : memref<128x128xf32, #tpu.memory_space<vmem>>) dst(%dma_wait3A_138 : memref<2048x128xf32, #tpu.memory_space<vmem_shared>>)
        tpu.yield
      }) : () -> ()
      %get3A = arith.constant 0 : i32
      %get3A_51 = arith.index_cast %get3A : i32 to index
      %get3A_52 = arith.constant 0 : index
      %get3A_53 = tpu.vector_load %arg10[%get3A_51, %get3A_52] {strides = array<i32>} : memref<2x128xi32, #tpu.memory_space<vmem>>, vector<16xi32>,
      tpu.vector_store_idx %arg13[%get3A_53], %broadcast_in_dim3A_5 {add = true} : memref<2048xf32, #tpu.memory_space<vmem>>[vector<16xi32>], vector<16xf32>,
      %get3A_54 = arith.constant 0 : i32
      %get3A_55 = arith.index_cast %get3A_54 : i32 to index
      %get3A_56 = arith.constant 16 : index
      %get3A_57 = tpu.vector_load %arg10[%get3A_55, %get3A_56] {strides = array<i32>} : memref<2x128xi32, #tpu.memory_space<vmem>>, vector<16xi32>,
      tpu.vector_store_idx %arg13[%get3A_57], %broadcast_in_dim3A_5 {add = true} : memref<2048xf32, #tpu.memory_space<vmem>>[vector<16xi32>], vector<16xf32>,
      %get3A_58 = arith.constant 0 : i32
      %get3A_59 = arith.index_cast %get3A_58 : i32 to index
      %get3A_60 = arith.constant 32 : index
      %get3A_61 = tpu.vector_load %arg10[%get3A_59, %get3A_60] {strides = array<i32>} : memref<2x128xi32, #tpu.memory_space<vmem>>, vector<16xi32>,
      tpu.vector_store_idx %arg13[%get3A_61], %broadcast_in_dim3A_5 {add = true} : memref<2048xf32, #tpu.memory_space<vmem>>[vector<16xi32>], vector<16xf32>,
      %get3A_62 = arith.constant 0 : i32
      %get3A_63 = arith.index_cast %get3A_62 : i32 to index
      %get3A_64 = arith.constant 48 : index
      %get3A_65 = tpu.vector_load %arg10[%get3A_63, %get3A_64] {strides = array<i32>} : memref<2x128xi32, #tpu.memory_space<vmem>>, vector<16xi32>,
      tpu.vector_store_idx %arg13[%get3A_65], %broadcast_in_dim3A_5 {add = true} : memref<2048xf32, #tpu.memory_space<vmem>>[vector<16xi32>], vector<16xf32>,
      %get3A_66 = arith.constant 0 : i32
      %get3A_67 = arith.index_cast %get3A_66 : i32 to index
      %get3A_68 = arith.constant 64 : index
      %get3A_69 = tpu.vector_load %arg10[%get3A_67, %get3A_68] {strides = array<i32>} : memref<2x128xi32, #tpu.memory_space<vmem>>, vector<16xi32>,
      tpu.vector_store_idx %arg13[%get3A_69], %broadcast_in_dim3A_5 {add = true} : memref<2048xf32, #tpu.memory_space<vmem>>[vector<16xi32>], vector<16xf32>,
      %get3A_70 = arith.constant 0 : i32
      %get3A_71 = arith.index_cast %get3A_70 : i32 to index
      %get3A_72 = arith.constant 80 : index
      %get3A_73 = tpu.vector_load %arg10[%get3A_71, %get3A_72] {strides = array<i32>} : memref<2x128xi32, #tpu.memory_space<vmem>>, vector<16xi32>,
      tpu.vector_store_idx %arg13[%get3A_73], %broadcast_in_dim3A_5 {add = true} : memref<2048xf32, #tpu.memory_space<vmem>>[vector<16xi32>], vector<16xf32>,
      %get3A_74 = arith.constant 0 : i32
      %get3A_75 = arith.index_cast %get3A_74 : i32 to index
      %get3A_76 = arith.constant 96 : index
      %get3A_77 = tpu.vector_load %arg10[%get3A_75, %get3A_76] {strides = array<i32>} : memref<2x128xi32, #tpu.memory_space<vmem>>, vector<16xi32>,
      tpu.vector_store_idx %arg13[%get3A_77], %broadcast_in_dim3A_5 {add = true} : memref<2048xf32, #tpu.memory_space<vmem>>[vector<16xi32>], vector<16xf32>,
      %get3A_78 = arith.constant 0 : i32
      %get3A_79 = arith.index_cast %get3A_78 : i32 to index
      %get3A_80 = arith.constant 112 : index
      %get3A_81 = tpu.vector_load %arg10[%get3A_79, %get3A_80] {strides = array<i32>} : memref<2x128xi32, #tpu.memory_space<vmem>>, vector<16xi32>,
      tpu.vector_store_idx %arg13[%get3A_81], %broadcast_in_dim3A_5 {add = true} : memref<2048xf32, #tpu.memory_space<vmem>>[vector<16xi32>], vector<16xf32>,
      %add3A_82 = arith.constant 1 : i32
      %add3A_83 = arith.addi %scan3A_27, %add3A_82 : i32
      %lt3A = arith.constant 8 : i32
      %lt3A_84 = arith.cmpi slt, %add3A_83, %lt3A : i32
      %convert_element_type3A = arith.extui %lt3A_84 : i1 to i32
      %cond3A = arith.constant 0 : i32
      %cond3A_85 = arith.cmpi ne, %convert_element_type3A, %cond3A : i32
      scf.if %cond3A_85 {
        %add3A_126 = arith.constant 2 : i32
        %add3A_127 = arith.addi %mul3A_29, %add3A_126 : i32
        %mul3A_128 = arith.constant 128 : i32
        %mul3A_129 = arith.muli %add3A_127, %mul3A_128 : i32
        %add3A_130 = arith.addi %mul3A_4, %mul3A_129 : i32
        %run_scoped3A_131 = arith.constant 0 : i32
        "tpu.region"() ({
          %run_scoped3A_140 = tpu.sem_alloc : memref<!tpu.dma_semaphore, #tpu.memory_space<semaphore_mem>>
          %dma_start3A_141 = arith.constant 0 : i32
          %dma_start3A_142 = tpu.memref_slice %arg9[%run_scoped3A_131, %dma_start3A_141] : memref<2x128xi32, #tpu.memory_space<vmem>> -> memref<1x128xi32, #tpu.memory_space<vmem>>
          %dma_start3A_143 = tpu.memref_squeeze %dma_start3A_142 : memref<1x128xi32, #tpu.memory_space<vmem>> -> memref<128xi32, #tpu.memory_space<vmem>>
          %dma_start3A_144 = tpu.memref_slice %arg3[%add3A_130] : memref<65536xi32, #tpu.memory_space<hbm>> -> memref<128xi32, #tpu.memory_space<hbm>>
          %dma_start3A_145 = arith.constant 0 : i32
          %dma_start3A_146 = tpu.memref_slice %arg9[%run_scoped3A_131, %dma_start3A_145] : memref<2x128xi32, #tpu.memory_space<vmem>> -> memref<1x128xi32, #tpu.memory_space<vmem>>
          %dma_start3A_147 = tpu.memref_squeeze %dma_start3A_146 : memref<1x128xi32, #tpu.memory_space<vmem>> -> memref<128xi32, #tpu.memory_space<vmem>>
          %dma_start3A_148 = tpu.memref_slice %arg3[%add3A_130] : memref<65536xi32, #tpu.memory_space<hbm>> -> memref<128xi32, #tpu.memory_space<hbm>>
          tpu.enqueue_dma source(%dma_start3A_148 : memref<128xi32, #tpu.memory_space<hbm>>) target(%dma_start3A_147 : memref<128xi32, #tpu.memory_space<vmem>>) target_semaphore(%run_scoped3A_140 : memref<!tpu.dma_semaphore, #tpu.memory_space<semaphore_mem>>)
          %dma_wait3A_149 = arith.constant 0 : i32
          %dma_wait3A_150 = tpu.memref_slice %arg9[%run_scoped3A_131, %dma_wait3A_149] : memref<2x128xi32, #tpu.memory_space<vmem>> -> memref<1x128xi32, #tpu.memory_space<vmem>>
          %dma_wait3A_151 = tpu.memref_squeeze %dma_wait3A_150 : memref<1x128xi32, #tpu.memory_space<vmem>> -> memref<128xi32, #tpu.memory_space<vmem>>
          %dma_wait3A_152 = tpu.memref_slice %arg3[%add3A_130] : memref<65536xi32, #tpu.memory_space<hbm>> -> memref<128xi32, #tpu.memory_space<hbm>>
          %dma_wait3A_153 = arith.constant 0 : i32
          %dma_wait3A_154 = tpu.memref_slice %arg9[%run_scoped3A_131, %dma_wait3A_153] : memref<2x128xi32, #tpu.memory_space<vmem>> -> memref<1x128xi32, #tpu.memory_space<vmem>>
          %dma_wait3A_155 = tpu.memref_squeeze %dma_wait3A_154 : memref<1x128xi32, #tpu.memory_space<vmem>> -> memref<128xi32, #tpu.memory_space<vmem>>
          %dma_wait3A_156 = tpu.memref_slice %arg3[%add3A_130] : memref<65536xi32, #tpu.memory_space<hbm>> -> memref<128xi32, #tpu.memory_space<hbm>>
          tpu.wait_dma2 semaphore(%run_scoped3A_140 : memref<!tpu.dma_semaphore, #tpu.memory_space<semaphore_mem>>) src(%dma_wait3A_156 : memref<128xi32, #tpu.memory_space<hbm>>) dst(%dma_wait3A_155 : memref<128xi32, #tpu.memory_space<vmem>>)
          tpu.yield
        }) : () -> ()
        %run_scoped3A_132 = arith.constant 0 : i32
        "tpu.region"() ({
          %run_scoped3A_140 = tpu.sem_alloc : memref<!tpu.dma_semaphore, #tpu.memory_space<semaphore_mem>>
          %dma_start3A_141 = arith.constant 0 : i32
          %dma_start3A_142 = tpu.memref_slice %arg10[%run_scoped3A_132, %dma_start3A_141] : memref<2x128xi32, #tpu.memory_space<vmem>> -> memref<1x128xi32, #tpu.memory_space<vmem>>
          %dma_start3A_143 = tpu.memref_squeeze %dma_start3A_142 : memref<1x128xi32, #tpu.memory_space<vmem>> -> memref<128xi32, #tpu.memory_space<vmem>>
          %dma_start3A_144 = tpu.memref_slice %arg4[%add3A_130] : memref<65536xi32, #tpu.memory_space<hbm>> -> memref<128xi32, #tpu.memory_space<hbm>>
          %dma_start3A_145 = arith.constant 0 : i32
          %dma_start3A_146 = tpu.memref_slice %arg10[%run_scoped3A_132, %dma_start3A_145] : memref<2x128xi32, #tpu.memory_space<vmem>> -> memref<1x128xi32, #tpu.memory_space<vmem>>
          %dma_start3A_147 = tpu.memref_squeeze %dma_start3A_146 : memref<1x128xi32, #tpu.memory_space<vmem>> -> memref<128xi32, #tpu.memory_space<vmem>>
          %dma_start3A_148 = tpu.memref_slice %arg4[%add3A_130] : memref<65536xi32, #tpu.memory_space<hbm>> -> memref<128xi32, #tpu.memory_space<hbm>>
          tpu.enqueue_dma source(%dma_start3A_148 : memref<128xi32, #tpu.memory_space<hbm>>) target(%dma_start3A_147 : memref<128xi32, #tpu.memory_space<vmem>>) target_semaphore(%run_scoped3A_140 : memref<!tpu.dma_semaphore, #tpu.memory_space<semaphore_mem>>)
          %dma_wait3A_149 = arith.constant 0 : i32
          %dma_wait3A_150 = tpu.memref_slice %arg10[%run_scoped3A_132, %dma_wait3A_149] : memref<2x128xi32, #tpu.memory_space<vmem>> -> memref<1x128xi32, #tpu.memory_space<vmem>>
          %dma_wait3A_151 = tpu.memref_squeeze %dma_wait3A_150 : memref<1x128xi32, #tpu.memory_space<vmem>> -> memref<128xi32, #tpu.memory_space<vmem>>
          %dma_wait3A_152 = tpu.memref_slice %arg4[%add3A_130] : memref<65536xi32, #tpu.memory_space<hbm>> -> memref<128xi32, #tpu.memory_space<hbm>>
          %dma_wait3A_153 = arith.constant 0 : i32
          %dma_wait3A_154 = tpu.memref_slice %arg10[%run_scoped3A_132, %dma_wait3A_153] : memref<2x128xi32, #tpu.memory_space<vmem>> -> memref<1x128xi32, #tpu.memory_space<vmem>>
          %dma_wait3A_155 = tpu.memref_squeeze %dma_wait3A_154 : memref<1x128xi32, #tpu.memory_space<vmem>> -> memref<128xi32, #tpu.memory_space<vmem>>
          %dma_wait3A_156 = tpu.memref_slice %arg4[%add3A_130] : memref<65536xi32, #tpu.memory_space<hbm>> -> memref<128xi32, #tpu.memory_space<hbm>>
          tpu.wait_dma2 semaphore(%run_scoped3A_140 : memref<!tpu.dma_semaphore, #tpu.memory_space<semaphore_mem>>) src(%dma_wait3A_156 : memref<128xi32, #tpu.memory_space<hbm>>) dst(%dma_wait3A_155 : memref<128xi32, #tpu.memory_space<vmem>>)
          tpu.yield
        }) : () -> ()
        %dma_start3A_133 = arith.constant 0 : i32
        %dma_start3A_134 = arith.constant 0 : i32
        %dma_start3A_135 = tpu.memref_slice %arg9[%dma_start3A_133, %dma_start3A_134] : memref<2x128xi32, #tpu.memory_space<vmem>> -> memref<1x128xi32, #tpu.memory_space<vmem>>
        %dma_start3A_136 = tpu.memref_squeeze %dma_start3A_135 : memref<1x128xi32, #tpu.memory_space<vmem>> -> memref<128xi32, #tpu.memory_space<vmem>>
        %dma_start3A_137 = arith.constant 0 : i32
        %dma_start3A_138 = arith.constant 0 : i32
        %dma_start3A_139 = tpu.memref_slice %arg2[%dma_start3A_137, %dma_start3A_138] : memref<5000x128xf32, #tpu.memory_space<hbm>> -> memref<5000x128xf32, #tpu.memory_space<hbm>>
        tpu.enqueue_indirect_dma source(%dma_start3A_139 : memref<5000x128xf32, #tpu.memory_space<hbm>>) target(%arg11 : memref<128x128xf32, #tpu.memory_space<vmem>>) offsets(%dma_start3A_136 : memref<128xi32, #tpu.memory_space<vmem>>) semaphore(%arg18 : memref<!tpu.dma_semaphore, #tpu.memory_space<semaphore_mem>>)
      } else {
      }
      %dma_wait3A_86 = arith.constant 1 : i32
      %dma_wait3A_87 = arith.constant 0 : i32
      %dma_wait3A_88 = tpu.memref_slice %arg9[%dma_wait3A_86, %dma_wait3A_87] : memref<2x128xi32, #tpu.memory_space<vmem>> -> memref<1x128xi32, #tpu.memory_space<vmem>>
      %dma_wait3A_89 = tpu.memref_squeeze %dma_wait3A_88 : memref<1x128xi32, #tpu.memory_space<vmem>> -> memref<128xi32, #tpu.memory_space<vmem>>
      %dma_wait3A_90 = arith.constant 0 : i32
      %dma_wait3A_91 = arith.constant 0 : i32
      %dma_wait3A_92 = tpu.memref_slice %arg2[%dma_wait3A_90, %dma_wait3A_91] : memref<5000x128xf32, #tpu.memory_space<hbm>> -> memref<5000x128xf32, #tpu.memory_space<hbm>>
      tpu.wait_indirect_dma semaphore(%arg19 : memref<!tpu.dma_semaphore, #tpu.memory_space<semaphore_mem>>) src(%dma_wait3A_92 : memref<5000x128xf32, #tpu.memory_space<hbm>>) dst(%arg12 : memref<128x128xf32, #tpu.memory_space<vmem>>)
      %run_scoped3A_93 = arith.constant 1 : i32
      "tpu.region"() ({
        %run_scoped3A_126 = tpu.sem_alloc : memref<!tpu.dma_semaphore, #tpu.memory_space<semaphore_mem>>
        %dma_start3A_127 = arith.constant 0 : i32
        %dma_start3A_128 = tpu.memref_slice %arg10[%run_scoped3A_93, %dma_start3A_127] : memref<2x128xi32, #tpu.memory_space<vmem>> -> memref<1x128xi32, #tpu.memory_space<vmem>>
        %dma_start3A_129 = tpu.memref_squeeze %dma_start3A_128 : memref<1x128xi32, #tpu.memory_space<vmem>> -> memref<128xi32, #tpu.memory_space<vmem>>
        %dma_start3A_130 = arith.constant 0 : i32
        %dma_start3A_131 = arith.constant 0 : i32
        %dma_start3A_132 = tpu.memref_slice %arg16[%dma_start3A_130, %dma_start3A_131] : memref<2048x128xf32, #tpu.memory_space<vmem_shared>> -> memref<2048x128xf32, #tpu.memory_space<vmem_shared>>
        tpu.enqueue_indirect_dma source(%arg12 : memref<128x128xf32, #tpu.memory_space<vmem>>) target(%dma_start3A_132 : memref<2048x128xf32, #tpu.memory_space<vmem_shared>>) offsets(%dma_start3A_129 : memref<128xi32, #tpu.memory_space<vmem>>) semaphore(%run_scoped3A_126 : memref<!tpu.dma_semaphore, #tpu.memory_space<semaphore_mem>>) {add = true}
        %dma_wait3A_133 = arith.constant 0 : i32
        %dma_wait3A_134 = tpu.memref_slice %arg10[%run_scoped3A_93, %dma_wait3A_133] : memref<2x128xi32, #tpu.memory_space<vmem>> -> memref<1x128xi32, #tpu.memory_space<vmem>>
        %dma_wait3A_135 = tpu.memref_squeeze %dma_wait3A_134 : memref<1x128xi32, #tpu.memory_space<vmem>> -> memref<128xi32, #tpu.memory_space<vmem>>
        %dma_wait3A_136 = arith.constant 0 : i32
        %dma_wait3A_137 = arith.constant 0 : i32
        %dma_wait3A_138 = tpu.memref_slice %arg16[%dma_wait3A_136, %dma_wait3A_137] : memref<2048x128xf32, #tpu.memory_space<vmem_shared>> -> memref<2048x128xf32, #tpu.memory_space<vmem_shared>>
        tpu.wait_indirect_dma semaphore(%run_scoped3A_126 : memref<!tpu.dma_semaphore, #tpu.memory_space<semaphore_mem>>) src(%arg12 : memref<128x128xf32, #tpu.memory_space<vmem>>) dst(%dma_wait3A_138 : memref<2048x128xf32, #tpu.memory_space<vmem_shared>>)
        tpu.yield
      }) : () -> ()
      %get3A_94 = arith.constant 1 : i32
      %get3A_95 = arith.index_cast %get3A_94 : i32 to index
      %get3A_96 = arith.constant 0 : index
      %get3A_97 = tpu.vector_load %arg10[%get3A_95, %get3A_96] {strides = array<i32>} : memref<2x128xi32, #tpu.memory_space<vmem>>, vector<16xi32>,
      tpu.vector_store_idx %arg13[%get3A_97], %broadcast_in_dim3A_5 {add = true} : memref<2048xf32, #tpu.memory_space<vmem>>[vector<16xi32>], vector<16xf32>,
      %get3A_98 = arith.constant 1 : i32
      %get3A_99 = arith.index_cast %get3A_98 : i32 to index
      %get3A_100 = arith.constant 16 : index
      %get3A_101 = tpu.vector_load %arg10[%get3A_99, %get3A_100] {strides = array<i32>} : memref<2x128xi32, #tpu.memory_space<vmem>>, vector<16xi32>,
      tpu.vector_store_idx %arg13[%get3A_101], %broadcast_in_dim3A_5 {add = true} : memref<2048xf32, #tpu.memory_space<vmem>>[vector<16xi32>], vector<16xf32>,
      %get3A_102 = arith.constant 1 : i32
      %get3A_103 = arith.index_cast %get3A_102 : i32 to index
      %get3A_104 = arith.constant 32 : index
      %get3A_105 = tpu.vector_load %arg10[%get3A_103, %get3A_104] {strides = array<i32>} : memref<2x128xi32, #tpu.memory_space<vmem>>, vector<16xi32>,
      tpu.vector_store_idx %arg13[%get3A_105], %broadcast_in_dim3A_5 {add = true} : memref<2048xf32, #tpu.memory_space<vmem>>[vector<16xi32>], vector<16xf32>,
      %get3A_106 = arith.constant 1 : i32
      %get3A_107 = arith.index_cast %get3A_106 : i32 to index
      %get3A_108 = arith.constant 48 : index
      %get3A_109 = tpu.vector_load %arg10[%get3A_107, %get3A_108] {strides = array<i32>} : memref<2x128xi32, #tpu.memory_space<vmem>>, vector<16xi32>,
      tpu.vector_store_idx %arg13[%get3A_109], %broadcast_in_dim3A_5 {add = true} : memref<2048xf32, #tpu.memory_space<vmem>>[vector<16xi32>], vector<16xf32>,
      %get3A_110 = arith.constant 1 : i32
      %get3A_111 = arith.index_cast %get3A_110 : i32 to index
      %get3A_112 = arith.constant 64 : index
      %get3A_113 = tpu.vector_load %arg10[%get3A_111, %get3A_112] {strides = array<i32>} : memref<2x128xi32, #tpu.memory_space<vmem>>, vector<16xi32>,
      tpu.vector_store_idx %arg13[%get3A_113], %broadcast_in_dim3A_5 {add = true} : memref<2048xf32, #tpu.memory_space<vmem>>[vector<16xi32>], vector<16xf32>,
      %get3A_114 = arith.constant 1 : i32
      %get3A_115 = arith.index_cast %get3A_114 : i32 to index
      %get3A_116 = arith.constant 80 : index
      %get3A_117 = tpu.vector_load %arg10[%get3A_115, %get3A_116] {strides = array<i32>} : memref<2x128xi32, #tpu.memory_space<vmem>>, vector<16xi32>,
      tpu.vector_store_idx %arg13[%get3A_117], %broadcast_in_dim3A_5 {add = true} : memref<2048xf32, #tpu.memory_space<vmem>>[vector<16xi32>], vector<16xf32>,
      %get3A_118 = arith.constant 1 : i32
      %get3A_119 = arith.index_cast %get3A_118 : i32 to index
      %get3A_120 = arith.constant 96 : index
      %get3A_121 = tpu.vector_load %arg10[%get3A_119, %get3A_120] {strides = array<i32>} : memref<2x128xi32, #tpu.memory_space<vmem>>, vector<16xi32>,
      tpu.vector_store_idx %arg13[%get3A_121], %broadcast_in_dim3A_5 {add = true} : memref<2048xf32, #tpu.memory_space<vmem>>[vector<16xi32>], vector<16xf32>,
      %get3A_122 = arith.constant 1 : i32
      %get3A_123 = arith.index_cast %get3A_122 : i32 to index
      %get3A_124 = arith.constant 112 : index
      %get3A_125 = tpu.vector_load %arg10[%get3A_123, %get3A_124] {strides = array<i32>} : memref<2x128xi32, #tpu.memory_space<vmem>>, vector<16xi32>,
      tpu.vector_store_idx %arg13[%get3A_125], %broadcast_in_dim3A_5 {add = true} : memref<2048xf32, #tpu.memory_space<vmem>>[vector<16xi32>], vector<16xf32>,
    }
    %scan3A_19 = arith.constant 8 : i32
    "tpu.region"() ({
      %run_scoped3A_27 = tpu.sem_alloc : memref<!tpu.dma_semaphore, #tpu.memory_space<semaphore_mem>>
      %dma_start3A_28 = arith.constant 0 : i32
      %dma_start3A_29 = tpu.memref_slice %arg17[%arg1, %dma_start3A_28] : memref<16x2048xf32, #tpu.memory_space<vmem_shared>> -> memref<1x2048xf32, #tpu.memory_space<vmem_shared>>
      %dma_start3A_30 = tpu.memref_squeeze %dma_start3A_29 : memref<1x2048xf32, #tpu.memory_space<vmem_shared>> -> memref<2048xf32, #tpu.memory_space<vmem_shared>>
      %dma_start3A_31 = arith.constant 0 : i32
      %dma_start3A_32 = tpu.memref_slice %arg17[%arg1, %dma_start3A_31] : memref<16x2048xf32, #tpu.memory_space<vmem_shared>> -> memref<1x2048xf32, #tpu.memory_space<vmem_shared>>
      %dma_start3A_33 = tpu.memref_squeeze %dma_start3A_32 : memref<1x2048xf32, #tpu.memory_space<vmem_shared>> -> memref<2048xf32, #tpu.memory_space<vmem_shared>>
      tpu.enqueue_dma source(%arg13 : memref<2048xf32, #tpu.memory_space<vmem>>) target(%dma_start3A_33 : memref<2048xf32, #tpu.memory_space<vmem_shared>>) target_semaphore(%run_scoped3A_27 : memref<!tpu.dma_semaphore, #tpu.memory_space<semaphore_mem>>)
      %dma_wait3A = arith.constant 0 : i32
      %dma_wait3A_34 = tpu.memref_slice %arg17[%arg1, %dma_wait3A] : memref<16x2048xf32, #tpu.memory_space<vmem_shared>> -> memref<1x2048xf32, #tpu.memory_space<vmem_shared>>
      %dma_wait3A_35 = tpu.memref_squeeze %dma_wait3A_34 : memref<1x2048xf32, #tpu.memory_space<vmem_shared>> -> memref<2048xf32, #tpu.memory_space<vmem_shared>>
      %dma_wait3A_36 = arith.constant 0 : i32
      %dma_wait3A_37 = tpu.memref_slice %arg17[%arg1, %dma_wait3A_36] : memref<16x2048xf32, #tpu.memory_space<vmem_shared>> -> memref<1x2048xf32, #tpu.memory_space<vmem_shared>>
      %dma_wait3A_38 = tpu.memref_squeeze %dma_wait3A_37 : memref<1x2048xf32, #tpu.memory_space<vmem_shared>> -> memref<2048xf32, #tpu.memory_space<vmem_shared>>
      tpu.wait_dma2 semaphore(%run_scoped3A_27 : memref<!tpu.dma_semaphore, #tpu.memory_space<semaphore_mem>>) src(%arg13 : memref<2048xf32, #tpu.memory_space<vmem>>) dst(%dma_wait3A_38 : memref<2048xf32, #tpu.memory_space<vmem_shared>>)
      tpu.yield
    }) : () -> ()
    %barrier3A_20 = arith.constant 0 : index
    tpu.barrier barrier_id(%barrier3A_20)
    "tpu.region"() ({
      %run_scoped3A_27 = tpu.sem_alloc : memref<!tpu.dma_semaphore, #tpu.memory_space<semaphore_mem>>
      %dma_start3A_28 = arith.constant 0 : i32
      %dma_start3A_29 = tpu.memref_slice %arg17[%dma_start3A_28, %mul3A_2] : memref<16x2048xf32, #tpu.memory_space<vmem_shared>> -> memref<16x128xf32, #tpu.memory_space<vmem_shared>>
      %dma_start3A_30 = arith.constant 0 : i32
      %dma_start3A_31 = tpu.memref_slice %arg17[%dma_start3A_30, %mul3A_2] : memref<16x2048xf32, #tpu.memory_space<vmem_shared>> -> memref<16x128xf32, #tpu.memory_space<vmem_shared>>
      tpu.enqueue_dma source(%dma_start3A_31 : memref<16x128xf32, #tpu.memory_space<vmem_shared>>) target(%arg14 : memref<16x128xf32, #tpu.memory_space<vmem>>) target_semaphore(%run_scoped3A_27 : memref<!tpu.dma_semaphore, #tpu.memory_space<semaphore_mem>>)
      %dma_wait3A = arith.constant 0 : i32
      %dma_wait3A_32 = tpu.memref_slice %arg17[%dma_wait3A, %mul3A_2] : memref<16x2048xf32, #tpu.memory_space<vmem_shared>> -> memref<16x128xf32, #tpu.memory_space<vmem_shared>>
      %dma_wait3A_33 = arith.constant 0 : i32
      %dma_wait3A_34 = tpu.memref_slice %arg17[%dma_wait3A_33, %mul3A_2] : memref<16x2048xf32, #tpu.memory_space<vmem_shared>> -> memref<16x128xf32, #tpu.memory_space<vmem_shared>>
      tpu.wait_dma2 semaphore(%run_scoped3A_27 : memref<!tpu.dma_semaphore, #tpu.memory_space<semaphore_mem>>) src(%dma_wait3A_34 : memref<16x128xf32, #tpu.memory_space<vmem_shared>>) dst(%arg14 : memref<16x128xf32, #tpu.memory_space<vmem>>)
      tpu.yield
    }) : () -> ()
    %scan3A_21 = arith.constant 0 : i32
    %scan3A_22 = arith.constant 0 : i32
    %scan3A_23 = arith.constant 8 : i32
    %scan3A_24 = arith.addi %scan3A_22, %scan3A_23 : i32
    %scan3A_25 = arith.constant 1 : i32
    scf.for %scan3A_27 = %scan3A_22 to %scan3A_24 step %scan3A_25  : i32 {
      %mul3A_28 = arith.constant 16 : i32
      %mul3A_29 = arith.muli %scan3A_27, %mul3A_28 : i32
      %get3A = arith.constant 0 : i32
      %get3A_30 = arith.index_cast %get3A : i32 to index
      %get3A_31 = arith.index_cast %mul3A_29 : i32 to index
      %get3A_32 = tpu.vector_load %arg14[%get3A_30, %get3A_31] {strides = array<i32>} : memref<16x128xf32, #tpu.memory_space<vmem>>, vector<16xf32>,
      %mul3A_33 = arith.constant 16 : i32
      %mul3A_34 = arith.muli %scan3A_27, %mul3A_33 : i32
      %get3A_35 = arith.constant 1 : i32
      %get3A_36 = arith.index_cast %get3A_35 : i32 to index
      %get3A_37 = arith.index_cast %mul3A_34 : i32 to index
      %get3A_38 = tpu.vector_load %arg14[%get3A_36, %get3A_37] {strides = array<i32>} : memref<16x128xf32, #tpu.memory_space<vmem>>, vector<16xf32>,
      %add3A_39 = arith.addf %get3A_32, %get3A_38 : vector<16xf32>
      %mul3A_40 = arith.constant 16 : i32
      %mul3A_41 = arith.muli %scan3A_27, %mul3A_40 : i32
      %get3A_42 = arith.constant 2 : i32
      %get3A_43 = arith.index_cast %get3A_42 : i32 to index
      %get3A_44 = arith.index_cast %mul3A_41 : i32 to index
      %get3A_45 = tpu.vector_load %arg14[%get3A_43, %get3A_44] {strides = array<i32>} : memref<16x128xf32, #tpu.memory_space<vmem>>, vector<16xf32>,
      %add3A_46 = arith.addf %add3A_39, %get3A_45 : vector<16xf32>
      %mul3A_47 = arith.constant 16 : i32
      %mul3A_48 = arith.muli %scan3A_27, %mul3A_47 : i32
      %get3A_49 = arith.constant 3 : i32
      %get3A_50 = arith.index_cast %get3A_49 : i32 to index
      %get3A_51 = arith.index_cast %mul3A_48 : i32 to index
      %get3A_52 = tpu.vector_load %arg14[%get3A_50, %get3A_51] {strides = array<i32>} : memref<16x128xf32, #tpu.memory_space<vmem>>, vector<16xf32>,
      %add3A_53 = arith.addf %add3A_46, %get3A_52 : vector<16xf32>
      %mul3A_54 = arith.constant 16 : i32
      %mul3A_55 = arith.muli %scan3A_27, %mul3A_54 : i32
      %get3A_56 = arith.constant 4 : i32
      %get3A_57 = arith.index_cast %get3A_56 : i32 to index
      %get3A_58 = arith.index_cast %mul3A_55 : i32 to index
      %get3A_59 = tpu.vector_load %arg14[%get3A_57, %get3A_58] {strides = array<i32>} : memref<16x128xf32, #tpu.memory_space<vmem>>, vector<16xf32>,
      %add3A_60 = arith.addf %add3A_53, %get3A_59 : vector<16xf32>
      %mul3A_61 = arith.constant 16 : i32
      %mul3A_62 = arith.muli %scan3A_27, %mul3A_61 : i32
      %get3A_63 = arith.constant 5 : i32
      %get3A_64 = arith.index_cast %get3A_63 : i32 to index
      %get3A_65 = arith.index_cast %mul3A_62 : i32 to index
      %get3A_66 = tpu.vector_load %arg14[%get3A_64, %get3A_65] {strides = array<i32>} : memref<16x128xf32, #tpu.memory_space<vmem>>, vector<16xf32>,
      %add3A_67 = arith.addf %add3A_60, %get3A_66 : vector<16xf32>
      %mul3A_68 = arith.constant 16 : i32
      %mul3A_69 = arith.muli %scan3A_27, %mul3A_68 : i32
      %get3A_70 = arith.constant 6 : i32
      %get3A_71 = arith.index_cast %get3A_70 : i32 to index
      %get3A_72 = arith.index_cast %mul3A_69 : i32 to index
      %get3A_73 = tpu.vector_load %arg14[%get3A_71, %get3A_72] {strides = array<i32>} : memref<16x128xf32, #tpu.memory_space<vmem>>, vector<16xf32>,
      %add3A_74 = arith.addf %add3A_67, %get3A_73 : vector<16xf32>
      %mul3A_75 = arith.constant 16 : i32
      %mul3A_76 = arith.muli %scan3A_27, %mul3A_75 : i32
      %get3A_77 = arith.constant 7 : i32
      %get3A_78 = arith.index_cast %get3A_77 : i32 to index
      %get3A_79 = arith.index_cast %mul3A_76 : i32 to index
      %get3A_80 = tpu.vector_load %arg14[%get3A_78, %get3A_79] {strides = array<i32>} : memref<16x128xf32, #tpu.memory_space<vmem>>, vector<16xf32>,
      %add3A_81 = arith.addf %add3A_74, %get3A_80 : vector<16xf32>
      %mul3A_82 = arith.constant 16 : i32
      %mul3A_83 = arith.muli %scan3A_27, %mul3A_82 : i32
      %get3A_84 = arith.constant 8 : i32
      %get3A_85 = arith.index_cast %get3A_84 : i32 to index
      %get3A_86 = arith.index_cast %mul3A_83 : i32 to index
      %get3A_87 = tpu.vector_load %arg14[%get3A_85, %get3A_86] {strides = array<i32>} : memref<16x128xf32, #tpu.memory_space<vmem>>, vector<16xf32>,
      %add3A_88 = arith.addf %add3A_81, %get3A_87 : vector<16xf32>
      %mul3A_89 = arith.constant 16 : i32
      %mul3A_90 = arith.muli %scan3A_27, %mul3A_89 : i32
      %get3A_91 = arith.constant 9 : i32
      %get3A_92 = arith.index_cast %get3A_91 : i32 to index
      %get3A_93 = arith.index_cast %mul3A_90 : i32 to index
      %get3A_94 = tpu.vector_load %arg14[%get3A_92, %get3A_93] {strides = array<i32>} : memref<16x128xf32, #tpu.memory_space<vmem>>, vector<16xf32>,
      %add3A_95 = arith.addf %add3A_88, %get3A_94 : vector<16xf32>
      %mul3A_96 = arith.constant 16 : i32
      %mul3A_97 = arith.muli %scan3A_27, %mul3A_96 : i32
      %get3A_98 = arith.constant 10 : i32
      %get3A_99 = arith.index_cast %get3A_98 : i32 to index
      %get3A_100 = arith.index_cast %mul3A_97 : i32 to index
      %get3A_101 = tpu.vector_load %arg14[%get3A_99, %get3A_100] {strides = array<i32>} : memref<16x128xf32, #tpu.memory_space<vmem>>, vector<16xf32>,
      %add3A_102 = arith.addf %add3A_95, %get3A_101 : vector<16xf32>
      %mul3A_103 = arith.constant 16 : i32
      %mul3A_104 = arith.muli %scan3A_27, %mul3A_103 : i32
      %get3A_105 = arith.constant 11 : i32
      %get3A_106 = arith.index_cast %get3A_105 : i32 to index
      %get3A_107 = arith.index_cast %mul3A_104 : i32 to index
      %get3A_108 = tpu.vector_load %arg14[%get3A_106, %get3A_107] {strides = array<i32>} : memref<16x128xf32, #tpu.memory_space<vmem>>, vector<16xf32>,
      %add3A_109 = arith.addf %add3A_102, %get3A_108 : vector<16xf32>
      %mul3A_110 = arith.constant 16 : i32
      %mul3A_111 = arith.muli %scan3A_27, %mul3A_110 : i32
      %get3A_112 = arith.constant 12 : i32
      %get3A_113 = arith.index_cast %get3A_112 : i32 to index
      %get3A_114 = arith.index_cast %mul3A_111 : i32 to index
      %get3A_115 = tpu.vector_load %arg14[%get3A_113, %get3A_114] {strides = array<i32>} : memref<16x128xf32, #tpu.memory_space<vmem>>, vector<16xf32>,
      %add3A_116 = arith.addf %add3A_109, %get3A_115 : vector<16xf32>
      %mul3A_117 = arith.constant 16 : i32
      %mul3A_118 = arith.muli %scan3A_27, %mul3A_117 : i32
      %get3A_119 = arith.constant 13 : i32
      %get3A_120 = arith.index_cast %get3A_119 : i32 to index
      %get3A_121 = arith.index_cast %mul3A_118 : i32 to index
      %get3A_122 = tpu.vector_load %arg14[%get3A_120, %get3A_121] {strides = array<i32>} : memref<16x128xf32, #tpu.memory_space<vmem>>, vector<16xf32>,
      %add3A_123 = arith.addf %add3A_116, %get3A_122 : vector<16xf32>
      %mul3A_124 = arith.constant 16 : i32
      %mul3A_125 = arith.muli %scan3A_27, %mul3A_124 : i32
      %get3A_126 = arith.constant 14 : i32
      %get3A_127 = arith.index_cast %get3A_126 : i32 to index
      %get3A_128 = arith.index_cast %mul3A_125 : i32 to index
      %get3A_129 = tpu.vector_load %arg14[%get3A_127, %get3A_128] {strides = array<i32>} : memref<16x128xf32, #tpu.memory_space<vmem>>, vector<16xf32>,
      %add3A_130 = arith.addf %add3A_123, %get3A_129 : vector<16xf32>
      %mul3A_131 = arith.constant 16 : i32
      %mul3A_132 = arith.muli %scan3A_27, %mul3A_131 : i32
      %get3A_133 = arith.constant 15 : i32
      %get3A_134 = arith.index_cast %get3A_133 : i32 to index
      %get3A_135 = arith.index_cast %mul3A_132 : i32 to index
      %get3A_136 = tpu.vector_load %arg14[%get3A_134, %get3A_135] {strides = array<i32>} : memref<16x128xf32, #tpu.memory_space<vmem>>, vector<16xf32>,
      %add3A_137 = arith.addf %add3A_130, %get3A_136 : vector<16xf32>
      %mul3A_138 = arith.constant 16 : i32
      %mul3A_139 = arith.muli %scan3A_27, %mul3A_138 : i32
      %swap3A = arith.index_cast %mul3A_139 : i32 to index
      %swap3A_140 = tpu.vector_load %arg15[%swap3A] {strides = array<i32>} : memref<128xf32, #tpu.memory_space<vmem>>, vector<16xf32>,
      tpu.vector_store %arg15[%swap3A], %add3A_137 {strides = array<i32>} : memref<128xf32, #tpu.memory_space<vmem>>, vector<16xf32>,
    }
    %scan3A_26 = arith.constant 8 : i32
    "tpu.region"() ({
      %run_scoped3A_27 = tpu.sem_alloc : memref<!tpu.dma_semaphore, #tpu.memory_space<semaphore_mem>>
      %dma_start3A_28 = arith.constant 0 : i32
      %dma_start3A_29 = arith.constant 0 : i32
      %dma_start3A_30 = tpu.memref_slice %arg7[%arg0, %dma_start3A_28, %dma_start3A_29] : memref<2x2048x128xf32, #tpu.memory_space<hbm>> -> memref<1x2048x128xf32, #tpu.memory_space<hbm>>
      %dma_start3A_31 = tpu.memref_squeeze %dma_start3A_30 : memref<1x2048x128xf32, #tpu.memory_space<hbm>> -> memref<2048x128xf32, #tpu.memory_space<hbm>>
      %dma_start3A_32 = arith.constant 0 : i32
      %dma_start3A_33 = tpu.memref_slice %dma_start3A_31[%mul3A_2, %dma_start3A_32] : memref<2048x128xf32, #tpu.memory_space<hbm>> -> memref<128x128xf32, #tpu.memory_space<hbm>>
      %dma_start3A_34 = arith.constant 0 : i32
      %dma_start3A_35 = tpu.memref_slice %arg16[%mul3A_2, %dma_start3A_34] : memref<2048x128xf32, #tpu.memory_space<vmem_shared>> -> memref<128x128xf32, #tpu.memory_space<vmem_shared>>
      tpu.enqueue_dma source(%dma_start3A_35 : memref<128x128xf32, #tpu.memory_space<vmem_shared>>) target(%dma_start3A_33 : memref<128x128xf32, #tpu.memory_space<hbm>>) target_semaphore(%run_scoped3A_27 : memref<!tpu.dma_semaphore, #tpu.memory_space<semaphore_mem>>)
      %dma_wait3A = arith.constant 0 : i32
      %dma_wait3A_36 = arith.constant 0 : i32
      %dma_wait3A_37 = tpu.memref_slice %arg7[%arg0, %dma_wait3A, %dma_wait3A_36] : memref<2x2048x128xf32, #tpu.memory_space<hbm>> -> memref<1x2048x128xf32, #tpu.memory_space<hbm>>
      %dma_wait3A_38 = tpu.memref_squeeze %dma_wait3A_37 : memref<1x2048x128xf32, #tpu.memory_space<hbm>> -> memref<2048x128xf32, #tpu.memory_space<hbm>>
      %dma_wait3A_39 = arith.constant 0 : i32
      %dma_wait3A_40 = tpu.memref_slice %dma_wait3A_38[%mul3A_2, %dma_wait3A_39] : memref<2048x128xf32, #tpu.memory_space<hbm>> -> memref<128x128xf32, #tpu.memory_space<hbm>>
      %dma_wait3A_41 = arith.constant 0 : i32
      %dma_wait3A_42 = tpu.memref_slice %arg16[%mul3A_2, %dma_wait3A_41] : memref<2048x128xf32, #tpu.memory_space<vmem_shared>> -> memref<128x128xf32, #tpu.memory_space<vmem_shared>>
      tpu.wait_dma2 semaphore(%run_scoped3A_27 : memref<!tpu.dma_semaphore, #tpu.memory_space<semaphore_mem>>) src(%dma_wait3A_42 : memref<128x128xf32, #tpu.memory_space<vmem_shared>>) dst(%dma_wait3A_40 : memref<128x128xf32, #tpu.memory_space<hbm>>)
      tpu.yield
    }) : () -> ()
    "tpu.region"() ({
      %run_scoped3A_27 = tpu.sem_alloc : memref<!tpu.dma_semaphore, #tpu.memory_space<semaphore_mem>>
      %dma_start3A_28 = arith.constant 0 : i32
      %dma_start3A_29 = tpu.memref_slice %arg8[%arg0, %dma_start3A_28] : memref<2x2048xf32, #tpu.memory_space<hbm>> -> memref<1x2048xf32, #tpu.memory_space<hbm>>
      %dma_start3A_30 = tpu.memref_squeeze %dma_start3A_29 : memref<1x2048xf32, #tpu.memory_space<hbm>> -> memref<2048xf32, #tpu.memory_space<hbm>>
      %dma_start3A_31 = tpu.memref_slice %dma_start3A_30[%mul3A_2] : memref<2048xf32, #tpu.memory_space<hbm>> -> memref<128xf32, #tpu.memory_space<hbm>>
      %dma_start3A_32 = arith.constant 0 : i32
      %dma_start3A_33 = tpu.memref_slice %arg8[%arg0, %dma_start3A_32] : memref<2x2048xf32, #tpu.memory_space<hbm>> -> memref<1x2048xf32, #tpu.memory_space<hbm>>
      %dma_start3A_34 = tpu.memref_squeeze %dma_start3A_33 : memref<1x2048xf32, #tpu.memory_space<hbm>> -> memref<2048xf32, #tpu.memory_space<hbm>>
      %dma_start3A_35 = tpu.memref_slice %dma_start3A_34[%mul3A_2] : memref<2048xf32, #tpu.memory_space<hbm>> -> memref<128xf32, #tpu.memory_space<hbm>>
      tpu.enqueue_dma source(%arg15 : memref<128xf32, #tpu.memory_space<vmem>>) target(%dma_start3A_35 : memref<128xf32, #tpu.memory_space<hbm>>) target_semaphore(%run_scoped3A_27 : memref<!tpu.dma_semaphore, #tpu.memory_space<semaphore_mem>>)
      %dma_wait3A = arith.constant 0 : i32
      %dma_wait3A_36 = tpu.memref_slice %arg8[%arg0, %dma_wait3A] : memref<2x2048xf32, #tpu.memory_space<hbm>> -> memref<1x2048xf32, #tpu.memory_space<hbm>>
      %dma_wait3A_37 = tpu.memref_squeeze %dma_wait3A_36 : memref<1x2048xf32, #tpu.memory_space<hbm>> -> memref<2048xf32, #tpu.memory_space<hbm>>
      %dma_wait3A_38 = tpu.memref_slice %dma_wait3A_37[%mul3A_2] : memref<2048xf32, #tpu.memory_space<hbm>> -> memref<128xf32, #tpu.memory_space<hbm>>
      %dma_wait3A_39 = arith.constant 0 : i32
      %dma_wait3A_40 = tpu.memref_slice %arg8[%arg0, %dma_wait3A_39] : memref<2x2048xf32, #tpu.memory_space<hbm>> -> memref<1x2048xf32, #tpu.memory_space<hbm>>
      %dma_wait3A_41 = tpu.memref_squeeze %dma_wait3A_40 : memref<1x2048xf32, #tpu.memory_space<hbm>> -> memref<2048xf32, #tpu.memory_space<hbm>>
      %dma_wait3A_42 = tpu.memref_slice %dma_wait3A_41[%mul3A_2] : memref<2048xf32, #tpu.memory_space<hbm>> -> memref<128xf32, #tpu.memory_space<hbm>>
      tpu.wait_dma2 semaphore(%run_scoped3A_27 : memref<!tpu.dma_semaphore, #tpu.memory_space<semaphore_mem>>) src(%arg15 : memref<128xf32, #tpu.memory_space<vmem>>) dst(%dma_wait3A_42 : memref<128xf32, #tpu.memory_space<hbm>>)
      tpu.yield
    }) : () -> ()
    return
  }
}

module attributes {stable_mosaic.version = 14 : i64} {
  func.func @_prompt_body(%arg0: i32, %arg1: memref<1000x128xf32, #tpu.memory_space<vmem>>, %arg2: memref<1000x1xi32, #tpu.memory_space<vmem>>, %arg3: memref<128x64xf32, #tpu.memory_space<vmem>>, %arg4: memref<1x64xf32, #tpu.memory_space<vmem>>, %arg5: memref<128x64xf32, #tpu.memory_space<vmem>>, %arg6: memref<1x64xf32, #tpu.memory_space<vmem>>, %arg7: memref<192x128xf32, #tpu.memory_space<vmem>>, %arg8: memref<192x128xf32, #tpu.memory_space<vmem>>, %arg9: memref<1x128xf32, #tpu.memory_space<vmem>>, %arg10: memref<1000x128xf32, #tpu.memory_space<vmem>>, %arg11: memref<1000x128xf32, #tpu.memory_space<vmem>>) attributes {dimension_semantics = [#tpu.dimension_semantics<arbitrary>], iteration_bounds = array<i64: 10>, scalar_prefetch = 0 : i64, scratch_operands = 0 : i64, tpu.core_type = #tpu.core_type<tc>, window_params = [{transform_indices = @transform_0, window_bounds = array<i64: 1000, 128>}, {transform_indices = @transform_1, window_bounds = array<i64: 1000, 1>}, {pipeline_mode = #tpu.pipeline_mode<synchronous>, transform_indices = @transform_2, window_bounds = array<i64: 128, 64>}, {pipeline_mode = #tpu.pipeline_mode<synchronous>, transform_indices = @transform_3, window_bounds = array<i64: 1, 64>}, {pipeline_mode = #tpu.pipeline_mode<synchronous>, transform_indices = @transform_4, window_bounds = array<i64: 128, 64>}, {pipeline_mode = #tpu.pipeline_mode<synchronous>, transform_indices = @transform_5, window_bounds = array<i64: 1, 64>}, {pipeline_mode = #tpu.pipeline_mode<synchronous>, transform_indices = @transform_6, window_bounds = array<i64: 192, 128>}, {pipeline_mode = #tpu.pipeline_mode<synchronous>, transform_indices = @transform_7, window_bounds = array<i64: 192, 128>}, {pipeline_mode = #tpu.pipeline_mode<synchronous>, transform_indices = @transform_8, window_bounds = array<i64: 1, 128>}, {transform_indices = @transform_9, window_bounds = array<i64: 1000, 128>}, {transform_indices = @transform_10, window_bounds = array<i64: 1000, 128>}]} {
    %get3A = arith.constant 0 : index
    %get3A_0 = arith.constant 0 : index
    %get3A_1 = vector.load %arg1[%get3A, %get3A_0] : memref<1000x128xf32, #tpu.memory_space<vmem>>, vector<1000x128xf32>
    %get3A_2 = arith.constant 0 : index
    %get3A_3 = arith.constant 0 : index
    %get3A_4 = vector.load %arg3[%get3A_2, %get3A_3] : memref<128x64xf32, #tpu.memory_space<vmem>>, vector<128x64xf32>
    %dot_general3A = arith.constant dense<0.000000e+00> : vector<1000x64xf32>
    %dot_general3A_5 = tpu.matmul %get3A_1, %get3A_4, %dot_general3A {dimension_numbers = #tpu.dot_dimension_numbers<[1], [0], [0], [1], [0, 0, 1, 1], [], []>, transpose_lhs_hint = false} : vector<1000x128xf32>, vector<128x64xf32>, vector<1000x64xf32> -> vector<1000x64xf32>
    %get3A_6 = arith.constant 0 : index
    %get3A_7 = arith.constant 0 : index
    %get3A_8 = vector.load %arg4[%get3A_6, %get3A_7] : memref<1x64xf32, #tpu.memory_space<vmem>>, vector<1x64xf32>
    %add3A = vector.broadcast %get3A_8 : vector<1x64xf32> to vector<1000x64xf32>
    %add3A_9 = arith.addf %dot_general3A_5, %add3A : vector<1000x64xf32>
    %max3A = arith.constant 0.000000e+00 : f32
    %max3A_10 = vector.broadcast %max3A : f32 to vector<1000x64xf32>
    %max3A_11 = arith.maximumf %add3A_9, %max3A_10 : vector<1000x64xf32>
    %get3A_12 = arith.constant 0 : index
    %get3A_13 = arith.constant 0 : index
    %get3A_14 = vector.load %arg5[%get3A_12, %get3A_13] : memref<128x64xf32, #tpu.memory_space<vmem>>, vector<128x64xf32>
    %dot_general3A_15 = arith.constant dense<0.000000e+00> : vector<1000x64xf32>
    %dot_general3A_16 = tpu.matmul %get3A_1, %get3A_14, %dot_general3A_15 {dimension_numbers = #tpu.dot_dimension_numbers<[1], [0], [0], [1], [0, 0, 1, 1], [], []>, transpose_lhs_hint = false} : vector<1000x128xf32>, vector<128x64xf32>, vector<1000x64xf32> -> vector<1000x64xf32>
    %get3A_17 = arith.constant 0 : index
    %get3A_18 = arith.constant 0 : index
    %get3A_19 = vector.load %arg6[%get3A_17, %get3A_18] : memref<1x64xf32, #tpu.memory_space<vmem>>, vector<1x64xf32>
    %add3A_20 = vector.broadcast %get3A_19 : vector<1x64xf32> to vector<1000x64xf32>
    %add3A_21 = arith.addf %dot_general3A_16, %add3A_20 : vector<1000x64xf32>
    %max3A_22 = arith.constant 0.000000e+00 : f32
    %max3A_23 = vector.broadcast %max3A_22 : f32 to vector<1000x64xf32>
    %max3A_24 = arith.maximumf %add3A_21, %max3A_23 : vector<1000x64xf32>
    %get3A_25 = arith.constant 0 : index
    %get3A_26 = arith.constant 0 : index
    %get3A_27 = vector.load %arg2[%get3A_25, %get3A_26] : memref<1000x1xi32, #tpu.memory_space<vmem>>, vector<1000x1xi32>
    %gt3A = arith.constant 0 : i32
    %gt3A_28 = vector.broadcast %gt3A : i32 to vector<1000x1xi32>
    %gt3A_29 = arith.cmpi sgt, %get3A_27, %gt3A_28 : vector<1000x1xi32>
    %broadcast_in_dim3A = vector.shape_cast %gt3A_29 : vector<1000x1xi1> to vector<1000x1xi1>
    %broadcast_in_dim3A_30 = vector.broadcast %broadcast_in_dim3A : vector<1000x1xi1> to vector<1000x64xi1>
    %select_n3A = arith.select %broadcast_in_dim3A_30, %max3A_11, %max3A_24 : vector<1000x64xi1>, vector<1000x64xf32>
    %get3A_31 = arith.constant 0 : index
    %get3A_32 = arith.constant 0 : index
    %get3A_33 = vector.load %arg7[%get3A_31, %get3A_32] : memref<192x128xf32, #tpu.memory_space<vmem>>, vector<128x128xf32>
    %dot_general3A_34 = arith.constant dense<0.000000e+00> : vector<1000x128xf32>
    %dot_general3A_35 = tpu.matmul %get3A_1, %get3A_33, %dot_general3A_34 {dimension_numbers = #tpu.dot_dimension_numbers<[1], [0], [0], [1], [0, 0, 1, 1], [], []>, transpose_lhs_hint = false} : vector<1000x128xf32>, vector<128x128xf32>, vector<1000x128xf32> -> vector<1000x128xf32>
    %get3A_36 = arith.constant 128 : index
    %get3A_37 = arith.constant 0 : index
    %get3A_38 = vector.load %arg7[%get3A_36, %get3A_37] : memref<192x128xf32, #tpu.memory_space<vmem>>, vector<64x128xf32>
    %dot_general3A_39 = arith.constant dense<0.000000e+00> : vector<1000x128xf32>
    %dot_general3A_40 = tpu.matmul %select_n3A, %get3A_38, %dot_general3A_39 {dimension_numbers = #tpu.dot_dimension_numbers<[1], [0], [0], [1], [0, 0, 1, 1], [], []>, transpose_lhs_hint = false} : vector<1000x64xf32>, vector<64x128xf32>, vector<1000x128xf32> -> vector<1000x128xf32>
    %add3A_41 = arith.addf %dot_general3A_35, %dot_general3A_40 : vector<1000x128xf32>
    %swap3A = arith.constant 0 : index
    %swap3A_42 = arith.constant 0 : index
    %swap3A_43 = vector.load %arg10[%swap3A, %swap3A_42] : memref<1000x128xf32, #tpu.memory_space<vmem>>, vector<1000x128xf32>
    tpu.vector_store %arg10[%swap3A, %swap3A_42], %add3A_41 {strides = array<i32>} : memref<1000x128xf32, #tpu.memory_space<vmem>>, vector<1000x128xf32>,
    %get3A_44 = arith.constant 0 : index
    %get3A_45 = arith.constant 0 : index
    %get3A_46 = vector.load %arg8[%get3A_44, %get3A_45] : memref<192x128xf32, #tpu.memory_space<vmem>>, vector<128x128xf32>
    %dot_general3A_47 = arith.constant dense<0.000000e+00> : vector<1000x128xf32>
    %dot_general3A_48 = tpu.matmul %get3A_1, %get3A_46, %dot_general3A_47 {dimension_numbers = #tpu.dot_dimension_numbers<[1], [0], [0], [1], [0, 0, 1, 1], [], []>, transpose_lhs_hint = false} : vector<1000x128xf32>, vector<128x128xf32>, vector<1000x128xf32> -> vector<1000x128xf32>
    %get3A_49 = arith.constant 128 : index
    %get3A_50 = arith.constant 0 : index
    %get3A_51 = vector.load %arg8[%get3A_49, %get3A_50] : memref<192x128xf32, #tpu.memory_space<vmem>>, vector<64x128xf32>
    %dot_general3A_52 = arith.constant dense<0.000000e+00> : vector<1000x128xf32>
    %dot_general3A_53 = tpu.matmul %select_n3A, %get3A_51, %dot_general3A_52 {dimension_numbers = #tpu.dot_dimension_numbers<[1], [0], [0], [1], [0, 0, 1, 1], [], []>, transpose_lhs_hint = false} : vector<1000x64xf32>, vector<64x128xf32>, vector<1000x128xf32> -> vector<1000x128xf32>
    %add3A_54 = arith.addf %dot_general3A_48, %dot_general3A_53 : vector<1000x128xf32>
    %get3A_55 = arith.constant 0 : index
    %get3A_56 = arith.constant 0 : index
    %get3A_57 = vector.load %arg9[%get3A_55, %get3A_56] : memref<1x128xf32, #tpu.memory_space<vmem>>, vector<1x128xf32>
    %add3A_58 = vector.broadcast %get3A_57 : vector<1x128xf32> to vector<1000x128xf32>
    %add3A_59 = arith.addf %add3A_54, %add3A_58 : vector<1000x128xf32>
    %swap3A_60 = arith.constant 0 : index
    %swap3A_61 = arith.constant 0 : index
    %swap3A_62 = vector.load %arg11[%swap3A_60, %swap3A_61] : memref<1000x128xf32, #tpu.memory_space<vmem>>, vector<1000x128xf32>
    tpu.vector_store %arg11[%swap3A_60, %swap3A_61], %add3A_59 {strides = array<i32>} : memref<1000x128xf32, #tpu.memory_space<vmem>>, vector<1000x128xf32>,
    return
  }
  func.func @transform_0(%arg0: i32) -> (i32, i32) {
    %c0_i32 = arith.constant 0 : i32
    %c0_i32_0 = arith.constant 0 : i32
    return %arg0, %c0_i32 : i32, i32
  }
  func.func @transform_1(%arg0: i32) -> (i32, i32) {
    %c0_i32 = arith.constant 0 : i32
    %c0_i32_0 = arith.constant 0 : i32
    return %arg0, %c0_i32 : i32, i32
  }
  func.func @transform_2(%arg0: i32) -> (i32, i32) {
    %c0_i32 = arith.constant 0 : i32
    %c0_i32_0 = arith.constant 0 : i32
    %c0_i32_1 = arith.constant 0 : i32
    return %c0_i32, %c0_i32_0 : i32, i32
  }
  func.func @transform_3(%arg0: i32) -> (i32, i32) {
    %c0_i32 = arith.constant 0 : i32
    %c0_i32_0 = arith.constant 0 : i32
    %c0_i32_1 = arith.constant 0 : i32
    return %c0_i32, %c0_i32_0 : i32, i32
  }
  func.func @transform_4(%arg0: i32) -> (i32, i32) {
    %c0_i32 = arith.constant 0 : i32
    %c0_i32_0 = arith.constant 0 : i32
    %c0_i32_1 = arith.constant 0 : i32
    return %c0_i32, %c0_i32_0 : i32, i32
  }
  func.func @transform_5(%arg0: i32) -> (i32, i32) {
    %c0_i32 = arith.constant 0 : i32
    %c0_i32_0 = arith.constant 0 : i32
    %c0_i32_1 = arith.constant 0 : i32
    return %c0_i32, %c0_i32_0 : i32, i32
  }
  func.func @transform_6(%arg0: i32) -> (i32, i32) {
    %c0_i32 = arith.constant 0 : i32
    %c0_i32_0 = arith.constant 0 : i32
    %c0_i32_1 = arith.constant 0 : i32
    return %c0_i32, %c0_i32_0 : i32, i32
  }
  func.func @transform_7(%arg0: i32) -> (i32, i32) {
    %c0_i32 = arith.constant 0 : i32
    %c0_i32_0 = arith.constant 0 : i32
    %c0_i32_1 = arith.constant 0 : i32
    return %c0_i32, %c0_i32_0 : i32, i32
  }
  func.func @transform_8(%arg0: i32) -> (i32, i32) {
    %c0_i32 = arith.constant 0 : i32
    %c0_i32_0 = arith.constant 0 : i32
    %c0_i32_1 = arith.constant 0 : i32
    return %c0_i32, %c0_i32_0 : i32, i32
  }
  func.func @transform_9(%arg0: i32) -> (i32, i32) {
    %c0_i32 = arith.constant 0 : i32
    %c0_i32_0 = arith.constant 0 : i32
    return %arg0, %c0_i32 : i32, i32
  }
  func.func @transform_10(%arg0: i32) -> (i32, i32) {
    %c0_i32 = arith.constant 0 : i32
    %c0_i32_0 = arith.constant 0 : i32
    return %arg0, %c0_i32 : i32, i32
  }
}

module attributes {stable_mosaic.version = 14 : i64} {
  func.func @_layer1_body(%arg0: i32, %arg1: memref<2x1000x128xf32, #tpu.memory_space<vmem>>, %arg2: memref<2x1000x1xf32, #tpu.memory_space<vmem>>, %arg3: memref<1000x128xf32, #tpu.memory_space<vmem>>, %arg4: memref<128x128xf32, #tpu.memory_space<vmem>>, %arg5: memref<128x128xf32, #tpu.memory_space<vmem>>, %arg6: memref<1x128xf32, #tpu.memory_space<vmem>>, %arg7: memref<1000x128xf32, #tpu.memory_space<vmem>>, %arg8: memref<1000x128xf32, #tpu.memory_space<vmem>>) attributes {dimension_semantics = [#tpu.dimension_semantics<arbitrary>], iteration_bounds = array<i64: 5>, scalar_prefetch = 0 : i64, scratch_operands = 0 : i64, tpu.core_type = #tpu.core_type<tc>, window_params = [{transform_indices = @transform_0, window_bounds = array<i64: 2, 1000, 128>}, {transform_indices = @transform_1, window_bounds = array<i64: 2, 1000, 1>}, {transform_indices = @transform_2, window_bounds = array<i64: 1000, 128>}, {pipeline_mode = #tpu.pipeline_mode<synchronous>, transform_indices = @transform_3, window_bounds = array<i64: 128, 128>}, {pipeline_mode = #tpu.pipeline_mode<synchronous>, transform_indices = @transform_4, window_bounds = array<i64: 128, 128>}, {pipeline_mode = #tpu.pipeline_mode<synchronous>, transform_indices = @transform_5, window_bounds = array<i64: 1, 128>}, {transform_indices = @transform_6, window_bounds = array<i64: 1000, 128>}, {transform_indices = @transform_7, window_bounds = array<i64: 1000, 128>}]} {
    %get3A = arith.constant 0 : index
    %get3A_0 = arith.constant 0 : index
    %get3A_1 = arith.constant 0 : index
    %get3A_2 = vector.load %arg1[%get3A, %get3A_0, %get3A_1] : memref<2x1000x128xf32, #tpu.memory_space<vmem>>, vector<1x1000x128xf32>
    %get3A_3 = vector.shape_cast %get3A_2 : vector<1x1000x128xf32> to vector<1000x128xf32>
    %get3A_4 = arith.constant 1 : index
    %get3A_5 = arith.constant 0 : index
    %get3A_6 = arith.constant 0 : index
    %get3A_7 = vector.load %arg1[%get3A_4, %get3A_5, %get3A_6] : memref<2x1000x128xf32, #tpu.memory_space<vmem>>, vector<1x1000x128xf32>
    %get3A_8 = vector.shape_cast %get3A_7 : vector<1x1000x128xf32> to vector<1000x128xf32>
    %add3A = arith.addf %get3A_3, %get3A_8 : vector<1000x128xf32>
    %get3A_9 = arith.constant 0 : index
    %get3A_10 = arith.constant 0 : index
    %get3A_11 = arith.constant 0 : index
    %get3A_12 = vector.load %arg2[%get3A_9, %get3A_10, %get3A_11] : memref<2x1000x1xf32, #tpu.memory_space<vmem>>, vector<1x1000x1xf32>
    %get3A_13 = vector.shape_cast %get3A_12 : vector<1x1000x1xf32> to vector<1000x1xf32>
    %get3A_14 = arith.constant 1 : index
    %get3A_15 = arith.constant 0 : index
    %get3A_16 = arith.constant 0 : index
    %get3A_17 = vector.load %arg2[%get3A_14, %get3A_15, %get3A_16] : memref<2x1000x1xf32, #tpu.memory_space<vmem>>, vector<1x1000x1xf32>
    %get3A_18 = vector.shape_cast %get3A_17 : vector<1x1000x1xf32> to vector<1000x1xf32>
    %add3A_19 = arith.addf %get3A_13, %get3A_18 : vector<1000x1xf32>
    %get3A_20 = arith.constant 0 : index
    %get3A_21 = arith.constant 0 : index
    %get3A_22 = vector.load %arg3[%get3A_20, %get3A_21] : memref<1000x128xf32, #tpu.memory_space<vmem>>, vector<1000x128xf32>
    %max3A = arith.constant 1.000000e+00 : f32
    %max3A_23 = vector.broadcast %max3A : f32 to vector<1000x1xf32>
    %max3A_24 = arith.maximumf %add3A_19, %max3A_23 : vector<1000x1xf32>
    %div3A = vector.broadcast %max3A_24 : vector<1000x1xf32> to vector<1000x128xf32>
    %div3A_25 = arith.divf %add3A, %div3A : vector<1000x128xf32>
    %add3A_26 = arith.addf %get3A_22, %div3A_25 : vector<1000x128xf32>
    %max3A_27 = arith.constant 0.000000e+00 : f32
    %max3A_28 = vector.broadcast %max3A_27 : f32 to vector<1000x128xf32>
    %max3A_29 = arith.maximumf %add3A_26, %max3A_28 : vector<1000x128xf32>
    %get3A_30 = arith.constant 0 : index
    %get3A_31 = arith.constant 0 : index
    %get3A_32 = vector.load %arg4[%get3A_30, %get3A_31] : memref<128x128xf32, #tpu.memory_space<vmem>>, vector<128x128xf32>
    %dot_general3A = arith.constant dense<0.000000e+00> : vector<1000x128xf32>
    %dot_general3A_33 = tpu.matmul %max3A_29, %get3A_32, %dot_general3A {dimension_numbers = #tpu.dot_dimension_numbers<[1], [0], [0], [1], [0, 0, 1, 1], [], []>, transpose_lhs_hint = false} : vector<1000x128xf32>, vector<128x128xf32>, vector<1000x128xf32> -> vector<1000x128xf32>
    %swap3A = arith.constant 0 : index
    %swap3A_34 = arith.constant 0 : index
    %swap3A_35 = vector.load %arg7[%swap3A, %swap3A_34] : memref<1000x128xf32, #tpu.memory_space<vmem>>, vector<1000x128xf32>
    tpu.vector_store %arg7[%swap3A, %swap3A_34], %dot_general3A_33 {strides = array<i32>} : memref<1000x128xf32, #tpu.memory_space<vmem>>, vector<1000x128xf32>,
    %get3A_36 = arith.constant 0 : index
    %get3A_37 = arith.constant 0 : index
    %get3A_38 = vector.load %arg5[%get3A_36, %get3A_37] : memref<128x128xf32, #tpu.memory_space<vmem>>, vector<128x128xf32>
    %dot_general3A_39 = arith.constant dense<0.000000e+00> : vector<1000x128xf32>
    %dot_general3A_40 = tpu.matmul %max3A_29, %get3A_38, %dot_general3A_39 {dimension_numbers = #tpu.dot_dimension_numbers<[1], [0], [0], [1], [0, 0, 1, 1], [], []>, transpose_lhs_hint = false} : vector<1000x128xf32>, vector<128x128xf32>, vector<1000x128xf32> -> vector<1000x128xf32>
    %get3A_41 = arith.constant 0 : index
    %get3A_42 = arith.constant 0 : index
    %get3A_43 = vector.load %arg6[%get3A_41, %get3A_42] : memref<1x128xf32, #tpu.memory_space<vmem>>, vector<1x128xf32>
    %add3A_44 = vector.broadcast %get3A_43 : vector<1x128xf32> to vector<1000x128xf32>
    %add3A_45 = arith.addf %dot_general3A_40, %add3A_44 : vector<1000x128xf32>
    %swap3A_46 = arith.constant 0 : index
    %swap3A_47 = arith.constant 0 : index
    %swap3A_48 = vector.load %arg8[%swap3A_46, %swap3A_47] : memref<1000x128xf32, #tpu.memory_space<vmem>>, vector<1000x128xf32>
    tpu.vector_store %arg8[%swap3A_46, %swap3A_47], %add3A_45 {strides = array<i32>} : memref<1000x128xf32, #tpu.memory_space<vmem>>, vector<1000x128xf32>,
    return
  }
  func.func @transform_0(%arg0: i32) -> (i32, i32, i32) {
    %c0_i32 = arith.constant 0 : i32
    %c0_i32_0 = arith.constant 0 : i32
    %c0_i32_1 = arith.constant 0 : i32
    return %c0_i32, %arg0, %c0_i32_0 : i32, i32, i32
  }
  func.func @transform_1(%arg0: i32) -> (i32, i32, i32) {
    %c0_i32 = arith.constant 0 : i32
    %c0_i32_0 = arith.constant 0 : i32
    %c0_i32_1 = arith.constant 0 : i32
    return %c0_i32, %arg0, %c0_i32_0 : i32, i32, i32
  }
  func.func @transform_2(%arg0: i32) -> (i32, i32) {
    %c0_i32 = arith.constant 0 : i32
    %c0_i32_0 = arith.constant 0 : i32
    return %arg0, %c0_i32 : i32, i32
  }
  func.func @transform_3(%arg0: i32) -> (i32, i32) {
    %c0_i32 = arith.constant 0 : i32
    %c0_i32_0 = arith.constant 0 : i32
    %c0_i32_1 = arith.constant 0 : i32
    return %c0_i32, %c0_i32_0 : i32, i32
  }
  func.func @transform_4(%arg0: i32) -> (i32, i32) {
    %c0_i32 = arith.constant 0 : i32
    %c0_i32_0 = arith.constant 0 : i32
    %c0_i32_1 = arith.constant 0 : i32
    return %c0_i32, %c0_i32_0 : i32, i32
  }
  func.func @transform_5(%arg0: i32) -> (i32, i32) {
    %c0_i32 = arith.constant 0 : i32
    %c0_i32_0 = arith.constant 0 : i32
    %c0_i32_1 = arith.constant 0 : i32
    return %c0_i32, %c0_i32_0 : i32, i32
  }
  func.func @transform_6(%arg0: i32) -> (i32, i32) {
    %c0_i32 = arith.constant 0 : i32
    %c0_i32_0 = arith.constant 0 : i32
    return %arg0, %c0_i32 : i32, i32
  }
  func.func @transform_7(%arg0: i32) -> (i32, i32) {
    %c0_i32 = arith.constant 0 : i32
    %c0_i32_0 = arith.constant 0 : i32
    return %arg0, %c0_i32 : i32, i32
  }
}

module attributes {stable_mosaic.version = 14 : i64} {
  func.func @_layer2_body(%arg0: i32, %arg1: memref<2x1000x128xf32, #tpu.memory_space<vmem>>, %arg2: memref<2x1000x1xf32, #tpu.memory_space<vmem>>, %arg3: memref<1000x128xf32, #tpu.memory_space<vmem>>, %arg4: memref<128x64xf32, #tpu.memory_space<vmem>>, %arg5: memref<1x64xf32, #tpu.memory_space<vmem>>, %arg6: memref<1000x64xf32, #tpu.memory_space<vmem>>) attributes {dimension_semantics = [#tpu.dimension_semantics<arbitrary>], iteration_bounds = array<i64: 2>, scalar_prefetch = 0 : i64, scratch_operands = 0 : i64, tpu.core_type = #tpu.core_type<tc>, window_params = [{transform_indices = @transform_0, window_bounds = array<i64: 2, 1000, 128>}, {transform_indices = @transform_1, window_bounds = array<i64: 2, 1000, 1>}, {transform_indices = @transform_2, window_bounds = array<i64: 1000, 128>}, {pipeline_mode = #tpu.pipeline_mode<synchronous>, transform_indices = @transform_3, window_bounds = array<i64: 128, 64>}, {pipeline_mode = #tpu.pipeline_mode<synchronous>, transform_indices = @transform_4, window_bounds = array<i64: 1, 64>}, {transform_indices = @transform_5, window_bounds = array<i64: 1000, 64>}]} {
    %get3A = arith.constant 0 : index
    %get3A_0 = arith.constant 0 : index
    %get3A_1 = arith.constant 0 : index
    %get3A_2 = vector.load %arg1[%get3A, %get3A_0, %get3A_1] : memref<2x1000x128xf32, #tpu.memory_space<vmem>>, vector<1x1000x128xf32>
    %get3A_3 = vector.shape_cast %get3A_2 : vector<1x1000x128xf32> to vector<1000x128xf32>
    %get3A_4 = arith.constant 1 : index
    %get3A_5 = arith.constant 0 : index
    %get3A_6 = arith.constant 0 : index
    %get3A_7 = vector.load %arg1[%get3A_4, %get3A_5, %get3A_6] : memref<2x1000x128xf32, #tpu.memory_space<vmem>>, vector<1x1000x128xf32>
    %get3A_8 = vector.shape_cast %get3A_7 : vector<1x1000x128xf32> to vector<1000x128xf32>
    %add3A = arith.addf %get3A_3, %get3A_8 : vector<1000x128xf32>
    %get3A_9 = arith.constant 0 : index
    %get3A_10 = arith.constant 0 : index
    %get3A_11 = arith.constant 0 : index
    %get3A_12 = vector.load %arg2[%get3A_9, %get3A_10, %get3A_11] : memref<2x1000x1xf32, #tpu.memory_space<vmem>>, vector<1x1000x1xf32>
    %get3A_13 = vector.shape_cast %get3A_12 : vector<1x1000x1xf32> to vector<1000x1xf32>
    %get3A_14 = arith.constant 1 : index
    %get3A_15 = arith.constant 0 : index
    %get3A_16 = arith.constant 0 : index
    %get3A_17 = vector.load %arg2[%get3A_14, %get3A_15, %get3A_16] : memref<2x1000x1xf32, #tpu.memory_space<vmem>>, vector<1x1000x1xf32>
    %get3A_18 = vector.shape_cast %get3A_17 : vector<1x1000x1xf32> to vector<1000x1xf32>
    %add3A_19 = arith.addf %get3A_13, %get3A_18 : vector<1000x1xf32>
    %get3A_20 = arith.constant 0 : index
    %get3A_21 = arith.constant 0 : index
    %get3A_22 = vector.load %arg3[%get3A_20, %get3A_21] : memref<1000x128xf32, #tpu.memory_space<vmem>>, vector<1000x128xf32>
    %max3A = arith.constant 1.000000e+00 : f32
    %max3A_23 = vector.broadcast %max3A : f32 to vector<1000x1xf32>
    %max3A_24 = arith.maximumf %add3A_19, %max3A_23 : vector<1000x1xf32>
    %div3A = vector.broadcast %max3A_24 : vector<1000x1xf32> to vector<1000x128xf32>
    %div3A_25 = arith.divf %add3A, %div3A : vector<1000x128xf32>
    %add3A_26 = arith.addf %get3A_22, %div3A_25 : vector<1000x128xf32>
    %get3A_27 = arith.constant 0 : index
    %get3A_28 = arith.constant 0 : index
    %get3A_29 = vector.load %arg4[%get3A_27, %get3A_28] : memref<128x64xf32, #tpu.memory_space<vmem>>, vector<128x64xf32>
    %dot_general3A = arith.constant dense<0.000000e+00> : vector<1000x64xf32>
    %dot_general3A_30 = tpu.matmul %add3A_26, %get3A_29, %dot_general3A {dimension_numbers = #tpu.dot_dimension_numbers<[1], [0], [0], [1], [0, 0, 1, 1], [], []>, transpose_lhs_hint = false} : vector<1000x128xf32>, vector<128x64xf32>, vector<1000x64xf32> -> vector<1000x64xf32>
    %get3A_31 = arith.constant 0 : index
    %get3A_32 = arith.constant 0 : index
    %get3A_33 = vector.load %arg5[%get3A_31, %get3A_32] : memref<1x64xf32, #tpu.memory_space<vmem>>, vector<1x64xf32>
    %add3A_34 = vector.broadcast %get3A_33 : vector<1x64xf32> to vector<1000x64xf32>
    %add3A_35 = arith.addf %dot_general3A_30, %add3A_34 : vector<1000x64xf32>
    %swap3A = arith.constant 0 : index
    %swap3A_36 = arith.constant 0 : index
    %swap3A_37 = vector.load %arg6[%swap3A, %swap3A_36] : memref<1000x64xf32, #tpu.memory_space<vmem>>, vector<1000x64xf32>
    tpu.vector_store %arg6[%swap3A, %swap3A_36], %add3A_35 {strides = array<i32>} : memref<1000x64xf32, #tpu.memory_space<vmem>>, vector<1000x64xf32>,
    return
  }
  func.func @transform_0(%arg0: i32) -> (i32, i32, i32) {
    %c0_i32 = arith.constant 0 : i32
    %c0_i32_0 = arith.constant 0 : i32
    %c0_i32_1 = arith.constant 0 : i32
    return %c0_i32, %arg0, %c0_i32_0 : i32, i32, i32
  }
  func.func @transform_1(%arg0: i32) -> (i32, i32, i32) {
    %c0_i32 = arith.constant 0 : i32
    %c0_i32_0 = arith.constant 0 : i32
    %c0_i32_1 = arith.constant 0 : i32
    return %c0_i32, %arg0, %c0_i32_0 : i32, i32, i32
  }
  func.func @transform_2(%arg0: i32) -> (i32, i32) {
    %c0_i32 = arith.constant 0 : i32
    %c0_i32_0 = arith.constant 0 : i32
    return %arg0, %c0_i32 : i32, i32
  }
  func.func @transform_3(%arg0: i32) -> (i32, i32) {
    %c0_i32 = arith.constant 0 : i32
    %c0_i32_0 = arith.constant 0 : i32
    %c0_i32_1 = arith.constant 0 : i32
    return %c0_i32, %c0_i32_0 : i32, i32
  }
  func.func @transform_4(%arg0: i32) -> (i32, i32) {
    %c0_i32 = arith.constant 0 : i32
    %c0_i32_0 = arith.constant 0 : i32
    %c0_i32_1 = arith.constant 0 : i32
    return %c0_i32, %c0_i32_0 : i32, i32
  }
  func.func @transform_5(%arg0: i32) -> (i32, i32) {
    %c0_i32 = arith.constant 0 : i32
    %c0_i32_0 = arith.constant 0 : i32
    return %arg0, %c0_i32 : i32, i32
  }
}

</mosaic_0001>

<sc_bundles>
// kernel: kernel.10.cloned.1.call-start
scs
__scs_entry_jumppad:
0x0: {  	(pc) =	sbr.rel $0x88, $3  }
0x1: {  	(tag) =	ssettag $0x0;
	lr =	simm.s32 $0x1  }
0x2: {  	[smem:$0x3F8F] =	sst lr;
	_ =	strace $0xD0000000  }
0x3: {  	_ = 	snop  }
0x4: {  	_ = 	snop  }
0x5: {  	_ = 	snop  }
0x6: {  	_ = 	snop  }
0x7: {  	_ = 	snop  }
__scs_overlays_trampoline_lowered:
0x8: {  	[smem:$0x3F9E] =	sst s0  }
0x9: {  	[smem:$0x3F9F] =	sst s1  }
0xa: {  	[smem:$0x3FA0] =	sst s2  }
0xb: {  	[smem:$0x3FA1] =	sst s3  }
0xc: {  	[smem:$0x3FA2] =	sst s4  }
0xd: {  	[smem:$0x3FA3] =	sst s5  }
0xe: {  	[smem:$0x3FA4] =	sst s6  }
0xf: {  	[smem:$0x3FA5] =	sst s7  }
0x10: {  	[smem:$0x3FA6] =	sst s8  }
0x11: {  	[smem:$0x3FA7] =	sst s9;
	s0 =	simm.s32 @!p0 $0x0  }
0x12: {  	s1 =	sld [smem:$0x3F8D];
	s0 =	simm.s32 @p0 $0x1  }
0x13: {  	[smem:$0x3FA8] =	sst s0;
	s0 =	simm.s32 @!p1 $0x0  }
0x14: {  	s2 =	sld [smem:$0x3F8C];
	s0 =	simm.s32 @p1 $0x1  }
0x15: {  	[smem:$0x3FA9] =	sst s0;
	s0 =	simm.s32 @!p2 $0x0  }
0x16: {  	s3 =	sld [smem:$0x3FDB];
	s0 =	simm.s32 @p2 $0x1  }
0x17: {  	s4 =	simm.s32 $0x1BF5;
	[smem:$0x3FAB] =	sst s0  }
0x18: {  	s0 =	sld [smem:$0x3F8E];
	_ =	swait.ge [sflag:s4], $0x0  }
0x19: {  	s7 =	sld [smem:$0x3F8F]  }
0x1a: {  	s8 =	sadd.s32 $0xFFFFE003, lr  }
0x1b: {  	s9 =	sadd.s32 $0xFFFFFEF7, lr;
	s5 =	simm.s32 $0xFFFFFFFF;
	p2 =	slt.u32 s8, $0xFFFFF086  }
0x1c: {  	p1 =	slt.u32 s9, $0xF7A;
	s5 =	simm.s32 @!p2 $0x0  }
0x1d: {  	s5 =	simm.s32 @p1 $0x1;
	p0 =	seq.s32 s7, s2  }
0x1e: {  	s7 =	smul.u32 @!p0 $0xF7A, s2;
	p2 =	seq.s32 @!p0 s5, $0x0  }
0x1f: {  	s9 =	smul.u32 $0xF7A, s1;
	s8 =	simm.s32 @!p0 $0x1BF5;
	p2 =	por !p2, p0  }
0x20: {  	[sflag:s8] =	ssyncset.s32 @!p0 $0xFFFFF086;
	s6 =	sadd.s32 @!p0 s3, s7;
	s7 =	simm.s32 @!p0 $0x108  }
0x21: {  	s3 =	sadd.s32 s3, s9;
	s6 =	sadd.s32 @!p0 $0x88, s6;
	s7 =	simm.s32 @p2 $0x1082  }
0x22: {  	[simem:s7], [sflag:s8] =	dma.local @!p0 [hbm:s6], $0xF7A  }
0x23: {  	s9 =	sor.u32 $0xD0000000, s2;
	s6 =	simm.s32 $0x108;
	_ =	swait.ge @!p0 [sflag:s8], $0x0  }
0x24: {  	s3 =	sadd.s32 $0x88, s3;
	s6 =	simm.s32 @!p1 $0x1082;
	[sflag:s4] =	ssyncset.s32 $0xFFFFF086  }
0x25: {  	[simem:s6], [sflag:s4] =	dma.local [hbm:s3], $0xF7A  }
0x26: {  	[smem:$0x3F8F] =	sst s1;
	(tag) =	ssettag s2;
	_ =	strace s9  }
0x27: {  	s1 =	sld [smem:$0x3F9F]  }
0x28: {  	s2 =	sld [smem:$0x3FA0]  }
0x29: {  	s4 =	sld [smem:$0x3FA2]  }
0x2a: {  	p0 =	seq.s32 s5, $0x0;
	s5 =	sld [smem:$0x3FA3]  }
0x2b: {  	s6 =	sld [smem:$0x3FA4]  }
0x2c: {  	s7 =	sld [smem:$0x3FA5]  }
0x2d: {  	s3 =	simm.s32 $0x108;
	s8 =	sld [smem:$0x3FA6]  }
0x2e: {  	s3 =	simm.s32 @!p0 $0x1082;
	s9 =	sld [smem:$0x3FA7]  }
0x2f: {  	lr =	sadd.s32 s0, s3;
	s0 =	sld [smem:$0x3F9E]  }
0x30: {  	s3 =	sld [smem:$0x3FA1]  }
0x31: {  	[smem:$0x3FAA] =	sst s10  }
0x32: {  	s10 =	sld [smem:$0x3FA8];
	_ =	sdelay $0x3  }
0x33: {  	p0 =	seq.s32 s10, $0x1;
	s10 =	sld [smem:$0x3FAA];
	_ =	sdelay $0x3  }
0x34: {  	[smem:$0x3FAA] =	sst s10  }
0x35: {  	s10 =	sld [smem:$0x3FA9];
	_ =	sdelay $0x3  }
0x36: {  	p1 =	seq.s32 s10, $0x1;
	s10 =	sld [smem:$0x3FAA];
	_ =	sdelay $0x3  }
0x37: {  	[smem:$0x3FAA] =	sst s10  }
0x38: {  	s10 =	sld [smem:$0x3FAB]  }
0x39: {  	_ = 	snop;
	(pc) =	sbr.ind lr, $3  }
0x3a: {  	_ = 	snop  }
0x3b: {  	_ = 	snop  }
0x3c: {  	p2 =	seq.s32 s10, $0x1;
	s10 =	sld [smem:$0x3FAA]  }
0x3d: {  	_ =	shalt  }
0x3e: {  	_ =	shalt  }
0x3f: {  	_ =	shalt  }
0x40: {  	_ =	shalt  }
0x41: {  	_ =	shalt  }
0x42: {  	_ =	shalt  }
0x43: {  	_ =	shalt  }
0x44: {  	_ =	shalt  }
0x45: {  	_ =	shalt  }
0x46: {  	_ =	shalt  }
0x47: {  	_ =	shalt  }
0x48: {  	_ =	shalt  }
0x49: {  	_ =	shalt  }
0x4a: {  	_ =	shalt  }
0x4b: {  	_ =	shalt  }
0x4c: {  	_ =	shalt  }
0x4d: {  	_ =	shalt  }
0x4e: {  	_ =	shalt  }
0x4f: {  	_ =	shalt  }
0x50: {  	_ =	shalt  }
0x51: {  	_ =	shalt  }
0x52: {  	_ =	shalt  }
0x53: {  	_ =	shalt  }
0x54: {  	_ =	shalt  }
0x55: {  	_ =	shalt  }
0x56: {  	_ =	shalt  }
0x57: {  	_ =	shalt  }
0x58: {  	_ =	shalt  }
0x59: {  	_ =	shalt  }
0x5a: {  	_ =	shalt  }
0x5b: {  	_ =	shalt  }
0x5c: {  	_ =	shalt  }
0x5d: {  	_ =	shalt  }
0x5e: {  	_ =	shalt  }
0x5f: {  	_ =	shalt  }
0x60: {  	_ =	shalt  }
0x61: {  	_ =	shalt  }
0x62: {  	_ =	shalt  }
0x63: {  	_ =	shalt  }
0x64: {  	_ =	shalt  }
0x65: {  	_ =	shalt  }
0x66: {  	_ =	shalt  }
0x67: {  	_ =	shalt  }
0x68: {  	_ =	shalt  }
0x69: {  	_ =	shalt  }
0x6a: {  	_ =	shalt  }
0x6b: {  	_ =	shalt  }
0x6c: {  	_ =	shalt  }
0x6d: {  	_ =	shalt  }
0x6e: {  	_ =	shalt  }
0x6f: {  	_ =	shalt  }
0x70: {  	_ =	shalt  }
0x71: {  	_ =	shalt  }
0x72: {  	_ =	shalt  }
0x73: {  	_ =	shalt  }
0x74: {  	_ =	shalt  }
0x75: {  	_ =	shalt  }
0x76: {  	_ =	shalt  }
0x77: {  	_ =	shalt  }
0x78: {  	_ =	shalt  }
0x79: {  	_ =	shalt  }
0x7a: {  	_ =	shalt  }
0x7b: {  	_ =	shalt  }
0x7c: {  	_ =	shalt  }
0x7d: {  	_ =	shalt  }
0x7e: {  	_ =	shalt  }
0x7f: {  	_ =	shalt  }
0x80: {  	_ =	shalt  }
0x81: {  	_ =	shalt  }
0x82: {  	_ =	shalt  }
0x83: {  	_ =	shalt  }
0x84: {  	_ =	shalt  }
0x85: {  	_ =	shalt  }
0x86: {  	_ =	shalt  }
0x87: {  	_ =	shalt  }
.Lfunc_end0:
.L_simem_size_0:
called_computation.1_lowered:
.L_overlay_start_0:
0x88: {  	s2 =	sld [smem:$0x3FD9]  }
0x89: {  	s3 =	sld [smem:$0x3FFE];
	_ =	sdelay $0x1  }
0x8a: {  	s1 =	srdreg.scid  }
0x8b: {  	s0 =	sand.u32 $0x1, s1  }
0x8c: {  	s17 =	sshll.u32 s0, $0xA;
	s2 =	sadd.s32 s3, s2  }
0x8d: {  	s2 =	sadd.s32 s2, s17  }
0x8e: {  	[smem:$0x3FB6] =	sst s2  }
0x8f: {  	_ = 	snop  }
0x90: {  	s2 =	sld [smem:$0x3FD0];
	(tm) =	ssettm $0x1  }
0x91: {  	s18 =	sld [smem:$0x3FFB];
	_ =	sdelay $0x3  }
0x92: {  	_ =	strace s18  }
0x93: {  	s3 =	sld [smem:$0x3FFC];
	_ =	sdelay $0x3  }
0x94: {  	_ =	strace s3  }
0x95: {  	s3 =	sld [smem:$0x3FFD];
	_ =	sdelay $0x3  }
0x96: {  	_ =	strace s3  }
0x97: {  	_ =	strace $0x8FFFFFFF  }
0x98: {  	s19 =	sld [smem:$0x3FDB];
	_ =	sdelay $0x1  }
0x99: {  	s4 =	simm.s32 $_scs_section_size  }
0x9a: {  	s5 =	simm.s32 $_size__tile_overlayer_lowered;
	s6 =	simm.s32 $_tile_overlayer_lowered  }
0x9b: {  	s22 =	simm.s32 $0x1BFF;
	s21 =	sshll.u32 s6, $0x1;
	s3 =	sadd.s32 s4, s19  }
0x9c: {  	s7 =	simm.s32 $0x0;
	s20 =	sshll.u32 s5, $0x1;
	s5 =	sadd.s32 s21, s3  }
0x9d: {  	[timem:s7], [sflag:s22] =	dma.local [hbm:s5], s20  }
0x9e: {  	_ =	swait.ge [sflag:s22], s20  }
0x9f: {  	s4 =	ssub.s32 $0x0, s20;
	[sflag:s22] =	ssyncset.done $0x0  }
0xa0: {  	[sflag:s22] =	ssyncadd.s32 s4;
	_ =	sdelay $0x1  }
0xa1: {  	s23 =	simm.s32 $0x1B8B  }
0xa2: {  	_ =	swait.ge [sflag:s23], $0x1  }
0xa3: {  	[sflag:s23] =	ssyncset.done $0x0  }
0xa4: {  	s25 =	simm.s32 $0x1B8E;
	s24 =	sld [smem:$0x3FFE];
	[sflag:s23] =	ssyncadd.s32 $0xFFFFFFFF  }
0xa5: {  	s26 =	simm.s32 $execute0_lowered;
	[smem:$0x3FD2] =	sst s25  }
0xa6: {  	s5 =	sshll.u32 s26, $0x1;
	_ =	strace $0x80000049;
	[dreg:$0x1] =	wrdreg $0xFFFFFFFF  }
0xa7: {  	s28 =	simm.s32 $_size_execute0_lowered;
	s3 =	sadd.s32 s3, s5;
	[dreg:$0x0] =	wrdreg $0x0  }
0xa8: {  	s5 =	sshll.u32 s28, $0x1;
	[dreg:$0x2] =	wrdreg s3  }
0xa9: {  	[dreg:$0x3] =	wrdreg s5  }
0xaa: {  	[dreg:$0x4] =	wrdreg $0xC0  }
0xab: {  	_ =	task [dreg:s7], $0x5FFFF  }
0xac: {  	[dreg:$0x1] =	wrdreg $0xFFFFFFFF  }
0xad: {  	[dreg:$0x0] =	wrdreg $0x60  }
0xae: {  	[dreg:$0x2] =	wrdreg s24  }
0xaf: {  	[dreg:$0x3] =	wrdreg s2  }
0xb0: {  	[dreg:$0x4] =	wrdreg $0x92800  }
0xb1: {  	[dreg:$0x5] =	wrdreg $0xD2800  }
0xb2: {  	[dreg:$0x6] =	wrdreg $0x9  }
0xb3: {  	_ =	task.clear_ibuf [dreg:s7], $0x7FFFF;
	_ =	strace $0x90000049  }
0xb4: {  	s29 =	simm.s32 $0x9;
	_ =	strace $0x8000004B  }
0xb5: {  	_ =	swait.ge [sflag:s29], $0x1  }
0xb6: {  	[sflag:s29] =	ssyncadd.s32 $0xFFFFFFFF  }
0xb7: {  	_ =	strace $0x9000004B  }
0xb8: {  	_ =	sfence  }
0xb9: {  	s30 =	sld [smem:$0x0];
	_ =	sdelay $0x2  }
0xba: {  	s31 =	sshll.u32 s1, $0xD;
	s1 =	sshrl.u32 s1, $0x2  }
0xbb: {  	s3 =	sand.u32 $0x4000, s31;
	s1 =	sadd.s32 s1, s30  }
0xbc: {  	s0 =	sor.u32 s3, s0;
	s1 =	sshll.u32 s1, $0x11  }
0xbd: {  	s0 =	sor.u32 s1, s0  }
0xbe: {  	s0 =	sadd.s32 $0x8F2B, s0  }
0xbf: {  	[sflag:s0] =	ssyncadd.remote.s32 $0x1  }
0xc0: {  	_ =	sfence.sel $0xFFFF  }
0xc1: {  	[dreg:$0x0] =	wrdreg $0xFFFFFFFF;
	(pc) =	sbr.abs _section_cstart, $3  }
0xc2: {  	[dreg:$0x1] =	wrdreg $0xFFFFFFFF  }
0xc3: {  	_ =	task.clear_ibuf [dreg:s7], $0x2FFFF;
	_ =	strace $0x9FFFFFFF  }
0xc4: {  	(tm) =	ssettm $0x7FFFFFFF  }
0xc5: {  	_ =	shalt  }
tec
execute0_lowered:
.L_overlay_start_1:
0x0: {  	(tag) =	ssettag $0x1  }
0x1: {  	s0 =	rddreg [dreg:$0x0]  }
0x2: {  	s4 =	rddreg [dreg:$0x1]  }
0x3: {  	s1 =	rddreg [dreg:$0x2]  }
0x4: {  	s5 =	rddreg [dreg:$0x3];
	s2 =	simm.s32 $0x0;
	s6 =	srdreg.scid  }
0x5: {  	s16 =	stileid.u32;
	s18 =	simm.s32 $0x3;
	s28 =	simm.s32 $0x1  }
0x6: {  	s29 =	simm.s32 $0x2;
	s30 =	simm.s32 $0x400;
	s31 =	simm.s32 $0x0  }
0x7: {  	[smem:$0x7FF] =	sst s2;
	s3 =	sadd.s32 $0x3E00, s0;
	s7 =	sadd.s32 $0x67200, s0  }
0x8: {  	s6 =	sand.u32 $0x1, s6;
	s8 =	sadd.s32 $0x17800, s0;
	s19 =	sadd.s32 $0x18000, s0  }
0x9: {  	s11 =	sshll.u32 s16, $0xE;
	s23 =	sshll.u32 s16, $0x6;
	s12 =	sshll.u32 s16, $0xC  }
0xa: {  	s15 =	sshll.u32 s16, $0x7;
	_ =	strace $0x8000004A;
	[dreg:$0x5] =	wrdreg s8  }
0xb: {  	[dreg:$0x6] =	wrdreg s19;
	s20 =	sshll.u32 s6, $0xF;
	s21 =	ssub.s32 $0x2, s6  }
0xc: {  	s9 =	sshll.u32 s6, $0x4;
	s22 =	sadd.s32 s11, s1;
	s6 =	sshll.u32 s6, $0xB  }
0xd: {  	s8 =	sor.u32 $0x1C03, s23;
	s15 =	sand.u32 $0x380, s15;
	s19 =	simm.s32 $0x8200  }
0xe: {  	s23 =	simm.s32 $0x200;
	s13 =	sadd.s32 s20, s0;
	s10 =	sshrl.u32 s21, $0x1  }
0xf: {  	s0 =	sadd.s32 s9, s0;
	[dreg:$0x7] =	wrdreg s22;
	s6 =	sor.u32 s6, s12  }
0x10: {  	s22 =	sshll.u32 s16, $0xB;
	s12 =	sshrl.u32 s12, $0x2;
	s20 =	simm.s32 $0x100  }
0x11: {  	s14 =	ssub.s32 s21, s10;
	s24 =	sshrl.u32 s6, $0x3;
	s25 =	sand.u32 $0x4000, s22  }
0x12: {  	s12 =	sadd.s32 s12, s5;
	s26 =	sadd.s32 $0x18400, s13;
	s0 =	sadd.s32 $0x18200, s0  }
0x13: {  	s6 =	sor.u32 $0x100, s6;
	s21 =	simm.s32 $0x80;
	s9 =	sadd.s32 s24, s4  }
0x14: {  	s11 =	sadd.s32 s25, s5;
	s10 =	sadd.s32 s24, s7;
	s24 =	sshll.u32 s16, $0x5  }
0x15: {  	s13 =	smax.u32 s14, $0x1;
	s6 =	sshrl.u32 s6, $0x3;
	s22 =	sadd.s32 s22, s26  }
0x16: {  	s25 =	simm.s32 $0x180;
	s26 =	simm.s32 $0x4200;
	s11 =	sadd.s32 s15, s11  }
0x17: {  	s14 =	sadd.s32 $0x10, s9;
	s15 =	sadd.s32 $0x10, s10;
	s16 =	sadd.s32 s6, s7  }
0x18: {  	v0 =	vimm.f32 $1.000000000e+00;
	s17 =	sadd.s32 s6, s4;
	s24 =	sadd.s32 s24, s0;
	[dreg:$0x8] =	wrdreg s11  }
.LBB2_1:
0x19: {  	s0 =	rddreg [dreg:$0x7]  }
0x1a: {  	s4 =	rddreg [dreg:$0x5];
	s0 =	sshrl.u32 s0, $0x3  }
0x1b: {  	[spmem:s0], [sflag:s8] =	dma.local [hbm:s4], $0x800  }
0x1c: {  	_ =	swait.ge [sflag:s18], $0x800  }
0x1d: {  	[sflag:s18] =	ssyncset.done $0x0  }
0x1e: {  	s11 =	rddreg [dreg:$0x6];
	[sflag:s18] =	ssyncadd.s32 $0xFFFFF800  }
0x1f: {  	[tilespmem:s19], [sflag:$0x3] =	stream.linear.gather [hbm4b:s11+s2], $0x800, $0x38;
	[tilespmem:$0xDA80] =	vst v63  }
0x20: {  	_ =	swait.ge [sflag:s18], $0x800  }
0x21: {  	[sflag:s18] =	ssyncset.done $0x0  }
0x22: {  	[sflag:s18] =	ssyncadd.s32 $0xFFFFF800  }
0x23: {  	[bflag:$0x0] =	sbarrier.arrive $0xFFFF  }
0x24: {  	[tilespmem:s2], [sflag:$0x3] =	stream.linear.gather [hbm4b:s9+s2], $0x80, $0x38;
	[tilespmem:$0xDA80] =	vst v63  }
0x25: {  	_ =	swait.ge [sflag:s18], $0x80  }
0x26: {  	[sflag:s18] =	ssyncset.done $0x0  }
0x27: {  	[sflag:s18] =	ssyncadd.s32 $0xFFFFFF80  }
0x28: {  	[tilespmem:s20], [sflag:$0x3] =	stream.linear.gather [hbm4b:s10+s2], $0x80, $0x38;
	[tilespmem:$0xDA80] =	vst v63  }
0x29: {  	_ =	swait.ge [sflag:s18], $0x80  }
0x2a: {  	[sflag:s18] =	ssyncset.done $0x0  }
0x2b: {  	s4 =	simm.s32 $0x0;
	[sflag:s18] =	ssyncadd.s32 $0xFFFFFF80  }
0x2c: {  	[tilespmem:s23], [sflag:$0x1] =	stream.indirect.gather [hbm4b:s3+s21], $0x80, s2, s21, $0xb8;
	[tilespmem:$0xDA80] =	vst v63  }
.LBB2_2:
0x2d: {  	s5 =	sadd.s32 s4, s14  }
0x2e: {  	[tilespmem:s21], [sflag:$0x3] =	stream.linear.gather [hbm4b:s5+s2], $0x80, $0x38;
	[tilespmem:$0xDA80] =	vst v63  }
0x2f: {  	_ =	swait.ge [sflag:s18], $0x80  }
0x30: {  	[sflag:s18] =	ssyncset.done $0x0  }
0x31: {  	s11 =	sadd.s32 s4, s15;
	[sflag:s18] =	ssyncadd.s32 $0xFFFFFF80  }
0x32: {  	[tilespmem:s25], [sflag:$0x3] =	stream.linear.gather [hbm4b:s11+s2], $0x80, $0x38;
	[tilespmem:$0xDA80] =	vst v63  }
0x33: {  	_ =	swait.ge [sflag:s18], $0x80  }
0x34: {  	[sflag:s18] =	ssyncset.done $0x0  }
0x35: {  	[sflag:s18] =	ssyncadd.s32 $0xFFFFFF80  }
0x36: {  	[tilespmem:s26], [sflag:$0x2] =	stream.indirect.gather [hbm4b:s3+s21], $0x80, s21, s21, $0xb8;
	[tilespmem:$0xDA80] =	vst v63  }
0x37: {  	_ =	swait.ge [sflag:s28], $0x4000  }
0x38: {  	[sflag:s28] =	ssyncset.done $0x0  }
0x39: {  	[sflag:s28] =	ssyncadd.s32 $0xFFFFC000  }
0x3a: {  	[spmem:s1] =	stream.indirect.scatter.add.f32 [tilespmem:s23], [sflag:$0x3], $0x80, s20, s21, $0xb8;
	[tilespmem:$0xDA80] =	vst v63  }
0x3b: {  	_ =	swait.ge [sflag:s18], $0x4000  }
0x3c: {  	[sflag:s18] =	ssyncset.done $0x0  }
0x3d: {  	[sflag:s18] =	ssyncadd.s32 $0xFFFFC000  }
0x3e: {  	v1 =	vld [tilespmem:$0x100];
	_ =	sdelay $0x7  }
0x3f: {  	[tilespmem:v1+s19+$0x0] =	vst.idx.add.f32.msk $0xffff, v0  }
0x40: {  	v1 =	vld [tilespmem:$0x110];
	_ =	sdelay $0x7  }
0x41: {  	[tilespmem:v1+s19+$0x0] =	vst.idx.add.f32.msk $0xffff, v0  }
0x42: {  	v1 =	vld [tilespmem:$0x120];
	_ =	sdelay $0x7  }
0x43: {  	[tilespmem:v1+s19+$0x0] =	vst.idx.add.f32.msk $0xffff, v0  }
0x44: {  	v1 =	vld [tilespmem:$0x130];
	_ =	sdelay $0x7  }
0x45: {  	[tilespmem:v1+s19+$0x0] =	vst.idx.add.f32.msk $0xffff, v0  }
0x46: {  	v1 =	vld [tilespmem:$0x140];
	_ =	sdelay $0x7  }
0x47: {  	[tilespmem:v1+s19+$0x0] =	vst.idx.add.f32.msk $0xffff, v0  }
0x48: {  	v1 =	vld [tilespmem:$0x150];
	_ =	sdelay $0x7  }
0x49: {  	[tilespmem:v1+s19+$0x0] =	vst.idx.add.f32.msk $0xffff, v0  }
0x4a: {  	v1 =	vld [tilespmem:$0x160];
	_ =	sdelay $0x7  }
0x4b: {  	[tilespmem:v1+s19+$0x0] =	vst.idx.add.f32.msk $0xffff, v0  }
0x4c: {  	v1 =	vld [tilespmem:$0x170];
	_ =	sdelay $0x6  }
0x4d: {  	p0 =	seq.s32 s4, $0xE0  }
0x4e: {  	s5 =	sadd.s32 @!p0 s4, s17;
	s6 =	simm.s32 @!p0 $0x0;
	[tilespmem:v1+s19+$0x0] =	vst.idx.add.f32.msk $0xffff, v0  }
0x4f: {  	[tilespmem:s6], [sflag:$0x3] =	stream.linear.gather @!p0 [hbm4b:s5+s6], $0x80, $0x38;
	[tilespmem:$0xDA80] =	vst v63  }
0x50: {  	s5 =	simm.s32 @!p0 $0x3  }
0x51: {  	_ =	swait.ge @!p0 [sflag:s5], $0x80  }
0x52: {  	[sflag:s5] =	ssyncset.done @!p0 $0x0  }
0x53: {  	s7 =	sadd.s32 @!p0 s4, s16;
	s11 =	simm.s32 @!p0 $0x100;
	[sflag:s5] =	ssyncadd.s32 @!p0 $0xFFFFFF80  }
0x54: {  	[tilespmem:s11], [sflag:$0x3] =	stream.linear.gather @!p0 [hbm4b:s7+s6], $0x80, $0x38;
	[tilespmem:$0xDA80] =	vst v63  }
0x55: {  	_ =	swait.ge @!p0 [sflag:s5], $0x80  }
0x56: {  	[sflag:s5] =	ssyncset.done @!p0 $0x0  }
0x57: {  	s7 =	simm.s32 @!p0 $0x200;
	[sflag:s5] =	ssyncadd.s32 @!p0 $0xFFFFFF80;
	s5 =	simm.s32 @!p0 $0x80  }
0x58: {  	[tilespmem:s7], [sflag:$0x1] =	stream.indirect.gather @!p0 [hbm4b:s3+s5], $0x80, s6, s5, $0xb8;
	[tilespmem:$0xDA80] =	vst v63  }
0x59: {  	_ =	swait.ge [sflag:s29], $0x4000  }
0x5a: {  	[sflag:s29] =	ssyncset.done $0x0  }
0x5b: {  	[sflag:s29] =	ssyncadd.s32 $0xFFFFC000  }
0x5c: {  	[spmem:s1] =	stream.indirect.scatter.add.f32 [tilespmem:s26], [sflag:$0x3], $0x80, s25, s21, $0xb8;
	[tilespmem:$0xDA80] =	vst v63  }
0x5d: {  	_ =	swait.ge [sflag:s18], $0x4000  }
0x5e: {  	[sflag:s18] =	ssyncset.done $0x0  }
0x5f: {  	[sflag:s18] =	ssyncadd.s32 $0xFFFFC000  }
0x60: {  	v1 =	vld [tilespmem:$0x180];
	_ =	sdelay $0x7  }
0x61: {  	[tilespmem:v1+s19+$0x0] =	vst.idx.add.f32.msk $0xffff, v0  }
0x62: {  	v1 =	vld [tilespmem:$0x190];
	_ =	sdelay $0x7  }
0x63: {  	[tilespmem:v1+s19+$0x0] =	vst.idx.add.f32.msk $0xffff, v0  }
0x64: {  	v1 =	vld [tilespmem:$0x1A0];
	_ =	sdelay $0x7  }
0x65: {  	[tilespmem:v1+s19+$0x0] =	vst.idx.add.f32.msk $0xffff, v0  }
0x66: {  	v1 =	vld [tilespmem:$0x1B0];
	_ =	sdelay $0x7  }
0x67: {  	[tilespmem:v1+s19+$0x0] =	vst.idx.add.f32.msk $0xffff, v0  }
0x68: {  	v1 =	vld [tilespmem:$0x1C0];
	_ =	sdelay $0x7  }
0x69: {  	[tilespmem:v1+s19+$0x0] =	vst.idx.add.f32.msk $0xffff, v0  }
0x6a: {  	v1 =	vld [tilespmem:$0x1D0];
	_ =	sdelay $0x7  }
0x6b: {  	[tilespmem:v1+s19+$0x0] =	vst.idx.add.f32.msk $0xffff, v0  }
0x6c: {  	v1 =	vld [tilespmem:$0x1E0];
	_ =	sdelay $0x7  }
0x6d: {  	[tilespmem:v1+s19+$0x0] =	vst.idx.add.f32.msk $0xffff, v0  }
0x6e: {  	v1 =	vld [tilespmem:$0x1F0];
	_ =	sdelay $0x1  }
0x6f: {  	s4 =	sadd.s32 $0x20, s4  }
0x70: {  	p0 =	sne.s32 s4, $0x100  }
.Ltmp0:
0x71: {  	_ = 	snop;
	(pc) =	sbr.rel @p0 .LBB2_2-.Ltmp0, $2  }
0x72: {  	_ =	sdelay $0x2  }
0x73: {  	[tilespmem:v1+s19+$0x0] =	vst.idx.add.f32.msk $0xffff, v0  }
0x74: {  	s4 =	rddreg [dreg:$0x8]  }
0x75: {  	[spmem:s4] =	stream.strided.scatter [tilespmem:s19], [sflag:$0x3], $0x800, s30, s21, $0x38;
	[tilespmem:$0xDA80] =	vst v63  }
0x76: {  	_ =	swait.ge [sflag:s18], $0x800  }
0x77: {  	[sflag:s18] =	ssyncset.done $0x0  }
0x78: {  	[sflag:s18] =	ssyncadd.s32 $0xFFFFF800  }
0x79: {  	s11 =	simm.s32 $0x4000;
	s5 =	simm.s32 $0x8A00;
	[bflag:$0x0] =	sbarrier.arrive $0xFFFF  }
0x7a: {  	[tilespmem:s5], [sflag:$0x3] =	stream.strided.gather [spmem:s12], $0x800, s11, s30, $0x38;
	[tilespmem:$0xDA80] =	vst v63  }
0x7b: {  	_ =	swait.ge [sflag:s18], $0x800  }
0x7c: {  	[sflag:s18] =	ssyncset.done $0x0  }
0x7d: {  	s5 =	simm.s32 $0x0;
	[sflag:s18] =	ssyncadd.s32 $0xFFFFF800  }
0x7e: {  	v1 =	vld [tilespmem:s5+$0x8A00]  }
0x7f: {  	v2 =	vld [tilespmem:s5+$0x8A80];
	_ =	sdelay $0x1  }
0x80: {  	v3 =	vld [tilespmem:s5+$0x8B00];
	_ =	sdelay $0x1  }
0x81: {  	v4 =	vld [tilespmem:s5+$0x8B80]  }
0x82: {  	v1 =	vadd.f32 v2, v1  }
0x83: {  	v2 =	vld [tilespmem:s5+$0x8C00]  }
0x84: {  	v1 =	vadd.f32 v3, v1  }
0x85: {  	v3 =	vld [tilespmem:s5+$0x8C80]  }
0x86: {  	v1 =	vadd.f32 v4, v1  }
0x87: {  	v4 =	vld [tilespmem:s5+$0x8D00]  }
0x88: {  	v1 =	vadd.f32 v2, v1  }
0x89: {  	v2 =	vld [tilespmem:s5+$0x8D80]  }
0x8a: {  	s4 =	simm.s32 $0x10;
	v5 =	vld [tilespmem:s5+$0x8E00];
	v1 =	vadd.f32 v3, v1  }
0x8b: {  	v6 =	vld [tilespmem:s4+$0x8A00]  }
0x8c: {  	v3 =	vld [tilespmem:s5+$0x8E80];
	v1 =	vadd.f32 v4, v1  }
0x8d: {  	v4 =	vld [tilespmem:s4+$0x8A80]  }
0x8e: {  	v7 =	vld [tilespmem:s4+$0x8B00];
	v1 =	vadd.f32 v2, v1  }
0x8f: {  	v2 =	vld [tilespmem:s5+$0x8F00]  }
0x90: {  	v8 =	vld [tilespmem:s4+$0x8B80];
	v1 =	vadd.f32 v5, v1  }
0x91: {  	v5 =	vld [tilespmem:s5+$0x8F80]  }
0x92: {  	v4 =	vadd.f32 v4, v6;
	v6 =	vld [tilespmem:s4+$0x8C00];
	v1 =	vadd.f32 v3, v1  }
0x93: {  	v3 =	vld [tilespmem:s5+$0x9000]  }
0x94: {  	v4 =	vadd.f32 v7, v4;
	v7 =	vld [tilespmem:s4+$0x8C80];
	v1 =	vadd.f32 v2, v1  }
0x95: {  	v2 =	vld [tilespmem:s5+$0x9080]  }
0x96: {  	v9 =	vld [tilespmem:s4+$0x8D00];
	v4 =	vadd.f32 v8, v4;
	v1 =	vadd.f32 v5, v1  }
0x97: {  	v8 =	vld [tilespmem:s5+$0x9100]  }
0x98: {  	v5 =	vadd.f32 v6, v4;
	v4 =	vld [tilespmem:s4+$0x8D80];
	v6 =	vadd.f32 v3, v1  }
0x99: {  	v3 =	vld [tilespmem:s5+$0x9180]  }
0x9a: {  	v1 =	vld [tilespmem:s4+$0x8E80];
	v7 =	vadd.f32 v7, v5;
	v10 =	vadd.f32 v2, v6  }
0x9b: {  	s6 =	simm.s32 $0x20;
	v5 =	vld [tilespmem:s4+$0x8E00]  }
0x9c: {  	s7 =	simm.s32 $0xC0;
	v2 =	vld [tilespmem:s6+$0x8A00];
	v6 =	vadd.f32 v9, v7;
	v7 =	vadd.f32 v8, v10  }
.LBB2_4:
0x9d: {  	p0 =	sne.s32 s7, $0x1C0;
	v8 =	vld [tilespmem:s6+$0x8A80]  }
0x9e: {  	v4 =	vadd.f32 v4, v6;
	v6 =	vld [tilespmem:s4+$0x8F00];
	v3 =	vadd.f32 v3, v7  }
0x9f: {  	v7 =	vld [tilespmem:s6+$0x8B00]  }
0xa0: {  	v4 =	vadd.f32 v5, v4;
	v5 =	vld [tilespmem:s4+$0x8F80];
	[tilespmem:s5+$0x9200] =	vst v3;
	s5 =	smov.u32 s4;
	s4 =	smov.u32 s6  }
0xa1: {  	v3 =	vld [tilespmem:s4+$0x8B80]  }
0xa2: {  	v2 =	vadd.f32 v8, v2;
	v1 =	vadd.f32 v1, v4;
	v4 =	vld [tilespmem:s5+$0x9000]  }
0xa3: {  	v8 =	vld [tilespmem:s4+$0x8C00]  }
0xa4: {  	v2 =	vadd.f32 v7, v2;
	v1 =	vadd.f32 v6, v1;
	v6 =	vld [tilespmem:s5+$0x9080]  }
0xa5: {  	v7 =	vld [tilespmem:s4+$0x8C80]  }
0xa6: {  	v2 =	vadd.f32 v3, v2;
	v1 =	vadd.f32 v5, v1;
	v9 =	vld [tilespmem:s5+$0x9100]  }
0xa7: {  	v10 =	vld [tilespmem:s4+$0x8D00]  }
.Ltmp1:
0xa8: {  	v2 =	vadd.f32 v8, v2;
	v5 =	vadd.f32 v4, v1;
	v3 =	vld [tilespmem:s5+$0x9180];
	(pc) =	sbr.rel @p0 .LBB2_4-.Ltmp1, $4  }
0xa9: {  	v4 =	vld [tilespmem:s4+$0x8D80]  }
0xaa: {  	v7 =	vadd.f32 v7, v2;
	v1 =	vld [tilespmem:s4+$0x8E80];
	v8 =	vadd.f32 v6, v5  }
0xab: {  	s6 =	sshra.s32 s7, $0x2;
	v5 =	vld [tilespmem:s4+$0x8E00]  }
0xac: {  	s7 =	sadd.s32 $0x40, s7;
	v2 =	vld [tilespmem:s6+$0x8A00];
	v6 =	vadd.f32 v10, v7;
	v7 =	vadd.f32 v9, v8  }
0xad: {  	v8 =	vld [tilespmem:s6+$0x8A80]  }
0xae: {  	v9 =	vld [tilespmem:s4+$0x8F00];
	v3 =	vadd.f32 v3, v7  }
0xaf: {  	v52 =	vld [tilespmem:s6+$0x8B00]  }
0xb0: {  	v10 =	vld [tilespmem:s4+$0x8F80];
	v4 =	vadd.f32 v4, v6;
	[tilespmem:s5+$0x9200] =	vst v3  }
0xb1: {  	v3 =	vld [tilespmem:s6+$0x8B80]  }
0xb2: {  	v4 =	vadd.f32 v5, v4;
	v2 =	vadd.f32 v8, v2  }
0xb3: {  	v53 =	vld [tilespmem:s6+$0x8C00]  }
0xb4: {  	v54 =	vld [tilespmem:s4+$0x9000];
	v1 =	vadd.f32 v1, v4;
	v2 =	vadd.f32 v52, v2  }
0xb5: {  	v55 =	vld [tilespmem:s6+$0x8C80]  }
0xb6: {  	v56 =	vld [tilespmem:s4+$0x9080];
	v1 =	vadd.f32 v9, v1;
	v2 =	vadd.f32 v3, v2  }
0xb7: {  	v3 =	vld [tilespmem:s6+$0x8D00]  }
0xb8: {  	v57 =	vld [tilespmem:s4+$0x9100];
	v1 =	vadd.f32 v10, v1;
	v2 =	vadd.f32 v53, v2  }
0xb9: {  	v58 =	vld [tilespmem:s6+$0x8D80]  }
0xba: {  	v59 =	vld [tilespmem:s4+$0x9180];
	v1 =	vadd.f32 v54, v1;
	v2 =	vadd.f32 v55, v2  }
0xbb: {  	v60 =	vld [tilespmem:s6+$0x8E00]  }
0xbc: {  	v1 =	vadd.f32 v56, v1;
	v2 =	vadd.f32 v3, v2  }
0xbd: {  	v3 =	vld [tilespmem:s6+$0x8E80]  }
0xbe: {  	v1 =	vadd.f32 v57, v1;
	v2 =	vadd.f32 v58, v2  }
0xbf: {  	v61 =	vld [tilespmem:s6+$0x8F00]  }
0xc0: {  	v1 =	vadd.f32 v59, v1;
	v2 =	vadd.f32 v60, v2  }
0xc1: {  	v62 =	vld [tilespmem:s6+$0x8F80]  }
0xc2: {  	[tilespmem:s4+$0x9200] =	vst v1;
	v1 =	vadd.f32 v3, v2  }
0xc3: {  	v2 =	vld [tilespmem:s6+$0x9000]  }
0xc4: {  	v1 =	vadd.f32 v61, v1  }
0xc5: {  	v3 =	vld [tilespmem:s6+$0x9080]  }
0xc6: {  	v1 =	vadd.f32 v62, v1  }
0xc7: {  	v63 =	vld [tilespmem:s6+$0x9100]  }
0xc8: {  	v1 =	vadd.f32 v2, v1  }
0xc9: {  	v2 =	vld [tilespmem:s6+$0x9180]  }
0xca: {  	v1 =	vadd.f32 v3, v1;
	_ =	sdelay $0x1  }
0xcb: {  	v1 =	vadd.f32 v63, v1;
	_ =	sdelay $0x1  }
0xcc: {  	v1 =	vadd.f32 v2, v1;
	_ =	sdelay $0x1  }
0xcd: {  	[tilespmem:s6+$0x9200] =	vst v1  }
0xce: {  	[hbm:s22], [sflag:s8] =	dma.local [spmem:s0], $0x800  }
0xcf: {  	s31 =	sadd.s32 $0x1, s31;
	_ =	swait.ge [sflag:s18], $0x800  }
0xd0: {  	p0 =	sne.s32 s31, s13;
	[sflag:s18] =	ssyncset.done $0x0  }
.Ltmp2:
0xd1: {  	s11 =	simm.s32 $0x9200;
	[sflag:s18] =	ssyncadd.s32 $0xFFFFF800;
	(pc) =	sbr.rel @p0 .LBB2_1-.Ltmp2, $4  }
0xd2: {  	[hbm4b:s24+s2] =	stream.linear.scatter [tilespmem:s11], [sflag:$0x3], $0x80, $0x38;
	[tilespmem:$0xDA80] =	vst v63  }
0xd3: {  	_ =	swait.ge [sflag:s18], $0x80  }
0xd4: {  	[sflag:s18] =	ssyncset.done $0x0  }
0xd5: {  	[sflag:s18] =	ssyncadd.s32 $0xFFFFFF80  }
0xd6: {  	_ =	sfence.sel $0x180000  }
0xd7: {  	[bflag:$0x0] =	sbarrier.arrive $0xFFFF  }
0xd8: {  	_ =	strace $0x9000004A  }
0xd9: {  	s0 =	stileid.u32;
	[bflag:$0x2] =	sbarrier.arrive $0xFFFF  }
0xda: {  	p0 =	sne.s32 s0, $0x0;
	s0 =	rddreg [dreg:$0x4]  }
0xdb: {  	s0 =	sadd.s32 @!p0 $0x100000, s0  }
0xdc: {  	[sflag:s0] =	ssyncadd.tile.s32 @!p0 $0x1;
	_ =	shalt  }
.Lfunc_end2:
_tile_overlayer_lowered:
.L_overlay_start_2:
0xdd: {  	(tag) =	ssettag $0x2  }
0xde: {  	s0 =	rddreg [dreg:$0x0];
	s2 =	stileid.u32  }
0xdf: {  	s1 =	rddreg [dreg:$0x1];
	p0 =	sne.s32 s2, $0x0  }
0xe0: {  	s3 =	rddreg [dreg:$0x2];
	[bflag:$0x3] =	sbarrier.arrive $0xFFFF;
	s2 =	simm.s32 @!p0 $0x1C03  }
0xe1: {  	[timem:s3], [sflag:s2] =	dma.local @!p0 [hbm:s0], s1  }
0xe2: {  	s0 =	simm.s32 @!p0 $0x3  }
0xe3: {  	_ =	swait.ge @!p0 [sflag:s0], s1  }
0xe4: {  	s1 =	ssub.s32 @!p0 $0x0, s1;
	[sflag:s0] =	ssyncset.done @!p0 $0x0  }
0xe5: {  	[sflag:s0] =	ssyncadd.s32 @!p0 s1  }
0xe6: {  	[bflag:$0x3] =	sbarrier.arrive $0xFFFF  }
0xe7: {  	_ =	shalt  }

// kernel: kernel.7.cloned.1.call-start
scs
__scs_entry_jumppad:
0x0: {  	(pc) =	sbr.rel $0x88, $3  }
0x1: {  	(tag) =	ssettag $0x0;
	lr =	simm.s32 $0x1  }
0x2: {  	[smem:$0x3F8F] =	sst lr;
	_ =	strace $0xD0000000  }
0x3: {  	_ = 	snop  }
0x4: {  	_ = 	snop  }
0x5: {  	_ = 	snop  }
0x6: {  	_ = 	snop  }
0x7: {  	_ = 	snop  }
__scs_overlays_trampoline_lowered:
0x8: {  	[smem:$0x3F9E] =	sst s0  }
0x9: {  	[smem:$0x3F9F] =	sst s1  }
0xa: {  	[smem:$0x3FA0] =	sst s2  }
0xb: {  	[smem:$0x3FA1] =	sst s3  }
0xc: {  	[smem:$0x3FA2] =	sst s4  }
0xd: {  	[smem:$0x3FA3] =	sst s5  }
0xe: {  	[smem:$0x3FA4] =	sst s6  }
0xf: {  	[smem:$0x3FA5] =	sst s7  }
0x10: {  	[smem:$0x3FA6] =	sst s8  }
0x11: {  	[smem:$0x3FA7] =	sst s9;
	s0 =	simm.s32 @!p0 $0x0  }
0x12: {  	s1 =	sld [smem:$0x3F8D];
	s0 =	simm.s32 @p0 $0x1  }
0x13: {  	[smem:$0x3FA8] =	sst s0;
	s0 =	simm.s32 @!p1 $0x0  }
0x14: {  	s2 =	sld [smem:$0x3F8C];
	s0 =	simm.s32 @p1 $0x1  }
0x15: {  	[smem:$0x3FA9] =	sst s0;
	s0 =	simm.s32 @!p2 $0x0  }
0x16: {  	s3 =	sld [smem:$0x3FDB];
	s0 =	simm.s32 @p2 $0x1  }
0x17: {  	s4 =	simm.s32 $0x1BF5;
	[smem:$0x3FAB] =	sst s0  }
0x18: {  	s0 =	sld [smem:$0x3F8E];
	_ =	swait.ge [sflag:s4], $0x0  }
0x19: {  	s7 =	sld [smem:$0x3F8F]  }
0x1a: {  	s8 =	sadd.s32 $0xFFFFE003, lr  }
0x1b: {  	s9 =	sadd.s32 $0xFFFFFEF7, lr;
	s5 =	simm.s32 $0xFFFFFFFF;
	p2 =	slt.u32 s8, $0xFFFFF086  }
0x1c: {  	p1 =	slt.u32 s9, $0xF7A;
	s5 =	simm.s32 @!p2 $0x0  }
0x1d: {  	s5 =	simm.s32 @p1 $0x1;
	p0 =	seq.s32 s7, s2  }
0x1e: {  	s7 =	smul.u32 @!p0 $0xF7A, s2;
	p2 =	seq.s32 @!p0 s5, $0x0  }
0x1f: {  	s9 =	smul.u32 $0xF7A, s1;
	s8 =	simm.s32 @!p0 $0x1BF5;
	p2 =	por !p2, p0  }
0x20: {  	[sflag:s8] =	ssyncset.s32 @!p0 $0xFFFFF086;
	s6 =	sadd.s32 @!p0 s3, s7;
	s7 =	simm.s32 @!p0 $0x108  }
0x21: {  	s3 =	sadd.s32 s3, s9;
	s6 =	sadd.s32 @!p0 $0x88, s6;
	s7 =	simm.s32 @p2 $0x1082  }
0x22: {  	[simem:s7], [sflag:s8] =	dma.local @!p0 [hbm:s6], $0xF7A  }
0x23: {  	s9 =	sor.u32 $0xD0000000, s2;
	s6 =	simm.s32 $0x108;
	_ =	swait.ge @!p0 [sflag:s8], $0x0  }
0x24: {  	s3 =	sadd.s32 $0x88, s3;
	s6 =	simm.s32 @!p1 $0x1082;
	[sflag:s4] =	ssyncset.s32 $0xFFFFF086  }
0x25: {  	[simem:s6], [sflag:s4] =	dma.local [hbm:s3], $0xF7A  }
0x26: {  	[smem:$0x3F8F] =	sst s1;
	(tag) =	ssettag s2;
	_ =	strace s9  }
0x27: {  	s1 =	sld [smem:$0x3F9F]  }
0x28: {  	s2 =	sld [smem:$0x3FA0]  }
0x29: {  	s4 =	sld [smem:$0x3FA2]  }
0x2a: {  	p0 =	seq.s32 s5, $0x0;
	s5 =	sld [smem:$0x3FA3]  }
0x2b: {  	s6 =	sld [smem:$0x3FA4]  }
0x2c: {  	s7 =	sld [smem:$0x3FA5]  }
0x2d: {  	s3 =	simm.s32 $0x108;
	s8 =	sld [smem:$0x3FA6]  }
0x2e: {  	s3 =	simm.s32 @!p0 $0x1082;
	s9 =	sld [smem:$0x3FA7]  }
0x2f: {  	lr =	sadd.s32 s0, s3;
	s0 =	sld [smem:$0x3F9E]  }
0x30: {  	s3 =	sld [smem:$0x3FA1]  }
0x31: {  	[smem:$0x3FAA] =	sst s10  }
0x32: {  	s10 =	sld [smem:$0x3FA8];
	_ =	sdelay $0x3  }
0x33: {  	p0 =	seq.s32 s10, $0x1;
	s10 =	sld [smem:$0x3FAA];
	_ =	sdelay $0x3  }
0x34: {  	[smem:$0x3FAA] =	sst s10  }
0x35: {  	s10 =	sld [smem:$0x3FA9];
	_ =	sdelay $0x3  }
0x36: {  	p1 =	seq.s32 s10, $0x1;
	s10 =	sld [smem:$0x3FAA];
	_ =	sdelay $0x3  }
0x37: {  	[smem:$0x3FAA] =	sst s10  }
0x38: {  	s10 =	sld [smem:$0x3FAB]  }
0x39: {  	_ = 	snop;
	(pc) =	sbr.ind lr, $3  }
0x3a: {  	_ = 	snop  }
0x3b: {  	_ = 	snop  }
0x3c: {  	p2 =	seq.s32 s10, $0x1;
	s10 =	sld [smem:$0x3FAA]  }
0x3d: {  	_ =	shalt  }
0x3e: {  	_ =	shalt  }
0x3f: {  	_ =	shalt  }
0x40: {  	_ =	shalt  }
0x41: {  	_ =	shalt  }
0x42: {  	_ =	shalt  }
0x43: {  	_ =	shalt  }
0x44: {  	_ =	shalt  }
0x45: {  	_ =	shalt  }
0x46: {  	_ =	shalt  }
0x47: {  	_ =	shalt  }
0x48: {  	_ =	shalt  }
0x49: {  	_ =	shalt  }
0x4a: {  	_ =	shalt  }
0x4b: {  	_ =	shalt  }
0x4c: {  	_ =	shalt  }
0x4d: {  	_ =	shalt  }
0x4e: {  	_ =	shalt  }
0x4f: {  	_ =	shalt  }
0x50: {  	_ =	shalt  }
0x51: {  	_ =	shalt  }
0x52: {  	_ =	shalt  }
0x53: {  	_ =	shalt  }
0x54: {  	_ =	shalt  }
0x55: {  	_ =	shalt  }
0x56: {  	_ =	shalt  }
0x57: {  	_ =	shalt  }
0x58: {  	_ =	shalt  }
0x59: {  	_ =	shalt  }
0x5a: {  	_ =	shalt  }
0x5b: {  	_ =	shalt  }
0x5c: {  	_ =	shalt  }
0x5d: {  	_ =	shalt  }
0x5e: {  	_ =	shalt  }
0x5f: {  	_ =	shalt  }
0x60: {  	_ =	shalt  }
0x61: {  	_ =	shalt  }
0x62: {  	_ =	shalt  }
0x63: {  	_ =	shalt  }
0x64: {  	_ =	shalt  }
0x65: {  	_ =	shalt  }
0x66: {  	_ =	shalt  }
0x67: {  	_ =	shalt  }
0x68: {  	_ =	shalt  }
0x69: {  	_ =	shalt  }
0x6a: {  	_ =	shalt  }
0x6b: {  	_ =	shalt  }
0x6c: {  	_ =	shalt  }
0x6d: {  	_ =	shalt  }
0x6e: {  	_ =	shalt  }
0x6f: {  	_ =	shalt  }
0x70: {  	_ =	shalt  }
0x71: {  	_ =	shalt  }
0x72: {  	_ =	shalt  }
0x73: {  	_ =	shalt  }
0x74: {  	_ =	shalt  }
0x75: {  	_ =	shalt  }
0x76: {  	_ =	shalt  }
0x77: {  	_ =	shalt  }
0x78: {  	_ =	shalt  }
0x79: {  	_ =	shalt  }
0x7a: {  	_ =	shalt  }
0x7b: {  	_ =	shalt  }
0x7c: {  	_ =	shalt  }
0x7d: {  	_ =	shalt  }
0x7e: {  	_ =	shalt  }
0x7f: {  	_ =	shalt  }
0x80: {  	_ =	shalt  }
0x81: {  	_ =	shalt  }
0x82: {  	_ =	shalt  }
0x83: {  	_ =	shalt  }
0x84: {  	_ =	shalt  }
0x85: {  	_ =	shalt  }
0x86: {  	_ =	shalt  }
0x87: {  	_ =	shalt  }
.Lfunc_end0:
.L_simem_size_0:
called_computation_lowered:
.L_overlay_start_0:
0x88: {  	s2 =	sld [smem:$0x3FD9]  }
0x89: {  	s3 =	sld [smem:$0x3FFE];
	_ =	sdelay $0x1  }
0x8a: {  	s1 =	srdreg.scid  }
0x8b: {  	s0 =	sand.u32 $0x1, s1  }
0x8c: {  	s16 =	sshll.u32 s0, $0xA;
	s2 =	sadd.s32 s3, s2  }
0x8d: {  	s2 =	sadd.s32 s2, s16  }
0x8e: {  	[smem:$0x3FB6] =	sst s2  }
0x8f: {  	_ = 	snop  }
0x90: {  	(tm) =	ssettm $0x1  }
0x91: {  	s17 =	sld [smem:$0x3FFB];
	_ =	sdelay $0x3  }
0x92: {  	_ =	strace s17  }
0x93: {  	s2 =	sld [smem:$0x3FFC];
	_ =	sdelay $0x3  }
0x94: {  	_ =	strace s2  }
0x95: {  	s2 =	sld [smem:$0x3FFD];
	_ =	sdelay $0x3  }
0x96: {  	_ =	strace s2  }
0x97: {  	_ =	strace $0x8FFFFFFF  }
0x98: {  	s18 =	sld [smem:$0x3FDB];
	_ =	sdelay $0x1  }
0x99: {  	s19 =	simm.s32 $_scs_section_size  }
0x9a: {  	s4 =	simm.s32 $_size__tile_overlayer_lowered;
	s5 =	simm.s32 $_tile_overlayer_lowered  }
0x9b: {  	s22 =	simm.s32 $0x1BFF;
	s21 =	sshll.u32 s5, $0x1;
	s2 =	sadd.s32 s19, s18  }
0x9c: {  	s6 =	simm.s32 $0x0;
	s20 =	sshll.u32 s4, $0x1;
	s4 =	sadd.s32 s21, s2  }
0x9d: {  	[timem:s6], [sflag:s22] =	dma.local [hbm:s4], s20  }
0x9e: {  	_ =	swait.ge [sflag:s22], s20  }
0x9f: {  	s3 =	ssub.s32 $0x0, s20;
	[sflag:s22] =	ssyncset.done $0x0  }
0xa0: {  	[sflag:s22] =	ssyncadd.s32 s3;
	_ =	sdelay $0x1  }
0xa1: {  	s23 =	simm.s32 $0x1B8B  }
0xa2: {  	_ =	swait.ge [sflag:s23], $0x1  }
0xa3: {  	[sflag:s23] =	ssyncset.done $0x0  }
0xa4: {  	s25 =	simm.s32 $0x1B8E;
	s24 =	sld [smem:$0x3FFE];
	[sflag:s23] =	ssyncadd.s32 $0xFFFFFFFF  }
0xa5: {  	s26 =	simm.s32 $execute0_lowered;
	[smem:$0x3FD2] =	sst s25  }
0xa6: {  	s4 =	sshll.u32 s26, $0x1;
	_ =	strace $0x80000046;
	[dreg:$0x1] =	wrdreg $0xFFFFFFFF  }
0xa7: {  	s28 =	simm.s32 $_size_execute0_lowered;
	s2 =	sadd.s32 s2, s4;
	[dreg:$0x0] =	wrdreg $0x0  }
0xa8: {  	s4 =	sshll.u32 s28, $0x1;
	[dreg:$0x2] =	wrdreg s2  }
0xa9: {  	[dreg:$0x3] =	wrdreg s4  }
0xaa: {  	[dreg:$0x4] =	wrdreg $0xC0  }
0xab: {  	_ =	task [dreg:s6], $0x5FFFF  }
0xac: {  	[dreg:$0x1] =	wrdreg $0xFFFFFFFF  }
0xad: {  	[dreg:$0x0] =	wrdreg $0x60  }
0xae: {  	[dreg:$0x2] =	wrdreg s24  }
0xaf: {  	[dreg:$0x3] =	wrdreg $0xB3800  }
0xb0: {  	[dreg:$0x4] =	wrdreg $0x173800  }
0xb1: {  	[dreg:$0x5] =	wrdreg $0x9  }
0xb2: {  	_ =	task.clear_ibuf [dreg:s6], $0x6FFFF;
	_ =	strace $0x90000046  }
0xb3: {  	s29 =	simm.s32 $0x9;
	_ =	strace $0x80000048  }
0xb4: {  	_ =	swait.ge [sflag:s29], $0x1  }
0xb5: {  	[sflag:s29] =	ssyncadd.s32 $0xFFFFFFFF  }
0xb6: {  	_ =	strace $0x90000048  }
0xb7: {  	_ =	sfence  }
0xb8: {  	s30 =	sld [smem:$0x0];
	_ =	sdelay $0x2  }
0xb9: {  	s31 =	sshll.u32 s1, $0xD;
	s1 =	sshrl.u32 s1, $0x2  }
0xba: {  	s3 =	sand.u32 $0x4000, s31;
	s1 =	sadd.s32 s1, s30  }
0xbb: {  	s0 =	sor.u32 s3, s0;
	s1 =	sshll.u32 s1, $0x11  }
0xbc: {  	s0 =	sor.u32 s1, s0  }
0xbd: {  	s0 =	sadd.s32 $0x8F2B, s0  }
0xbe: {  	[sflag:s0] =	ssyncadd.remote.s32 $0x1  }
0xbf: {  	_ =	sfence.sel $0xFFFF  }
0xc0: {  	[dreg:$0x0] =	wrdreg $0xFFFFFFFF;
	(pc) =	sbr.abs _section_cstart, $3  }
0xc1: {  	[dreg:$0x1] =	wrdreg $0xFFFFFFFF  }
0xc2: {  	_ =	task.clear_ibuf [dreg:s6], $0x2FFFF;
	_ =	strace $0x9FFFFFFF  }
0xc3: {  	(tm) =	ssettm $0x7FFFFFFF  }
tec
execute0_lowered:
.L_overlay_start_1:
0x0: {  	(tag) =	ssettag $0x1  }
0x1: {  	s0 =	rddreg [dreg:$0x0]  }
0x2: {  	s1 =	rddreg [dreg:$0x1]  }
0x3: {  	s4 =	rddreg [dreg:$0x2];
	s2 =	simm.s32 $0x0  }
0x4: {  	s5 =	srdreg.scid;
	s28 =	simm.s32 $0x1;
	s29 =	simm.s32 $0x2  }
0x5: {  	s31 =	simm.s32 $0x0;
	[smem:$0x7FF] =	sst s2;
	s3 =	sadd.s32 $0xDE00, s0  }
0x6: {  	s5 =	sand.u32 $0x1, s5;
	s6 =	sadd.s32 $0x3E00, s0;
	s16 =	sadd.s32 $0x8E00, s0  }
0x7: {  	s8 =	sadd.s32 $0x35000, s0;
	s18 =	sadd.s32 $0x36800, s0;
	s7 =	smul.u32 $0x18000, s5  }
0x8: {  	_ =	strace $0x80000047;
	[dreg:$0x5] =	wrdreg s18;
	s18 =	stileid.u32  }
0x9: {  	[dreg:$0x4] =	wrdreg s8;
	s9 =	sshll.u32 s5, $0x4;
	s20 =	smul.u32 $0x30000, s18  }
0xa: {  	s10 =	ssub.s32 $0x2, s5;
	s19 =	sshll.u32 s18, $0x1;
	s15 =	smul.u32 $0x3000, s18  }
0xb: {  	s11 =	sshrl.u32 s10, $0x1;
	s24 =	sshrl.u32 s18, $0x3;
	s17 =	smul.u32 $0x2800, s18  }
0xc: {  	s22 =	sshll.u32 s18, $0x6;
	s14 =	ssub.s32 s10, s11;
	s11 =	smul.u32 $0x30000, s24  }
0xd: {  	s13 =	sadd.s32 s7, s0;
	s7 =	sor.u32 s5, s19;
	s5 =	smul.u32 $0x1400, s5  }
0xe: {  	s25 =	sshll.u32 s18, $0x7;
	s0 =	sadd.s32 s9, s0;
	s24 =	smul.u32 $0x60, s18  }
0xf: {  	s19 =	simm.s32 $0x8200;
	s8 =	sshrl.u32 s20, $0x2;
	s12 =	smul.u32 $0x1400, s7  }
0x10: {  	s15 =	sshrl.u32 s15, $0x2;
	s26 =	sadd.s32 $0x37200, s13;
	s0 =	sadd.s32 $0x36C00, s0  }
0x11: {  	s13 =	smax.u32 s14, $0x1;
	s20 =	simm.s32 $0x100;
	s21 =	sadd.s32 s8, s1  }
0x12: {  	s8 =	sor.u32 $0x1C03, s22;
	s11 =	sshrl.u32 s11, $0x2;
	s22 =	smul.u32 $0x1800, s18  }
0x13: {  	s5 =	sadd.s32 s5, s17;
	s18 =	simm.s32 $0x3;
	s24 =	sadd.s32 s24, s0  }
0x14: {  	[dreg:$0x6] =	wrdreg s21;
	s23 =	sshrl.u32 s12, $0x3;
	s12 =	sand.u32 $0x380, s25  }
0x15: {  	s11 =	sadd.s32 s11, s4;
	s30 =	sor.u32 $0x100, s5;
	s5 =	sor.u32 $0x80, s5  }
0x16: {  	s21 =	simm.s32 $0x80;
	s25 =	simm.s32 $0x180;
	s9 =	sadd.s32 s6, s23  }
0x17: {  	s10 =	sadd.s32 s16, s23;
	s11 =	sadd.s32 s12, s11;
	s12 =	sadd.s32 s15, s4  }
0x18: {  	s15 =	sshrl.u32 s30, $0x3;
	s5 =	sshrl.u32 s5, $0x3;
	s22 =	sadd.s32 s22, s26  }
0x19: {  	s23 =	simm.s32 $0x200;
	s26 =	simm.s32 $0x4200;
	s14 =	sadd.s32 s15, s16  }
0x1a: {  	v0 =	vimm.f32 $1.000000000e+00;
	s15 =	sadd.s32 s15, s6;
	s16 =	sadd.s32 s5, s16;
	s17 =	sadd.s32 s5, s6  }
.LBB2_1:
0x1b: {  	s0 =	rddreg [dreg:$0x6]  }
0x1c: {  	s4 =	rddreg [dreg:$0x4];
	s0 =	sshrl.u32 s0, $0x3  }
0x1d: {  	[spmem:s0], [sflag:s8] =	dma.local [hbm:s4], $0x1800  }
0x1e: {  	_ =	swait.ge [sflag:s18], $0x1800  }
0x1f: {  	[sflag:s18] =	ssyncset.done $0x0  }
0x20: {  	s30 =	rddreg [dreg:$0x5];
	[sflag:s18] =	ssyncadd.s32 $0xFFFFE800  }
0x21: {  	[tilespmem:s19], [sflag:$0x3] =	stream.linear.gather [hbm4b:s30+s2], $0x1800, $0x38;
	[tilespmem:$0x18B80] =	vst v63  }
0x22: {  	_ =	swait.ge [sflag:s18], $0x1800  }
0x23: {  	[sflag:s18] =	ssyncset.done $0x0  }
0x24: {  	[sflag:s18] =	ssyncadd.s32 $0xFFFFE800  }
0x25: {  	[bflag:$0x0] =	sbarrier.arrive $0xFFFF  }
0x26: {  	[tilespmem:s2], [sflag:$0x3] =	stream.linear.gather [hbm4b:s9+s2], $0x80, $0x38;
	[tilespmem:$0x18B80] =	vst v63  }
0x27: {  	_ =	swait.ge [sflag:s18], $0x80  }
0x28: {  	[sflag:s18] =	ssyncset.done $0x0  }
0x29: {  	[sflag:s18] =	ssyncadd.s32 $0xFFFFFF80  }
0x2a: {  	[tilespmem:s20], [sflag:$0x3] =	stream.linear.gather [hbm4b:s10+s2], $0x80, $0x38;
	[tilespmem:$0x18B80] =	vst v63  }
0x2b: {  	_ =	swait.ge [sflag:s18], $0x80  }
0x2c: {  	[sflag:s18] =	ssyncset.done $0x0  }
0x2d: {  	s4 =	simm.s32 $0x0;
	[sflag:s18] =	ssyncadd.s32 $0xFFFFFF80  }
0x2e: {  	[tilespmem:s23], [sflag:$0x1] =	stream.indirect.gather [hbm4b:s3+s21], $0x80, s2, s21, $0xb8;
	[tilespmem:$0x18B80] =	vst v63  }
.LBB2_2:
0x2f: {  	s5 =	sadd.s32 s4, s17  }
0x30: {  	[tilespmem:s21], [sflag:$0x3] =	stream.linear.gather [hbm4b:s5+s2], $0x80, $0x38;
	[tilespmem:$0x18B80] =	vst v63  }
0x31: {  	_ =	swait.ge [sflag:s18], $0x80  }
0x32: {  	[sflag:s18] =	ssyncset.done $0x0  }
0x33: {  	s30 =	sadd.s32 s4, s16;
	[sflag:s18] =	ssyncadd.s32 $0xFFFFFF80  }
0x34: {  	[tilespmem:s25], [sflag:$0x3] =	stream.linear.gather [hbm4b:s30+s2], $0x80, $0x38;
	[tilespmem:$0x18B80] =	vst v63  }
0x35: {  	_ =	swait.ge [sflag:s18], $0x80  }
0x36: {  	[sflag:s18] =	ssyncset.done $0x0  }
0x37: {  	[sflag:s18] =	ssyncadd.s32 $0xFFFFFF80  }
0x38: {  	[tilespmem:s26], [sflag:$0x2] =	stream.indirect.gather [hbm4b:s3+s21], $0x80, s21, s21, $0xb8;
	[tilespmem:$0x18B80] =	vst v63  }
0x39: {  	_ =	swait.ge [sflag:s28], $0x4000  }
0x3a: {  	[sflag:s28] =	ssyncset.done $0x0  }
0x3b: {  	[sflag:s28] =	ssyncadd.s32 $0xFFFFC000  }
0x3c: {  	[spmem:s1] =	stream.indirect.scatter.add.f32 [tilespmem:s23], [sflag:$0x3], $0x80, s20, s21, $0xb8;
	[tilespmem:$0x18B80] =	vst v63  }
0x3d: {  	_ =	swait.ge [sflag:s18], $0x4000  }
0x3e: {  	[sflag:s18] =	ssyncset.done $0x0  }
0x3f: {  	[sflag:s18] =	ssyncadd.s32 $0xFFFFC000  }
0x40: {  	v1 =	vld [tilespmem:$0x100];
	_ =	sdelay $0x7  }
0x41: {  	[tilespmem:v1+s19+$0x0] =	vst.idx.add.f32.msk $0xffff, v0  }
0x42: {  	v1 =	vld [tilespmem:$0x110];
	_ =	sdelay $0x7  }
0x43: {  	[tilespmem:v1+s19+$0x0] =	vst.idx.add.f32.msk $0xffff, v0  }
0x44: {  	v1 =	vld [tilespmem:$0x120];
	_ =	sdelay $0x7  }
0x45: {  	[tilespmem:v1+s19+$0x0] =	vst.idx.add.f32.msk $0xffff, v0  }
0x46: {  	v1 =	vld [tilespmem:$0x130];
	_ =	sdelay $0x7  }
0x47: {  	[tilespmem:v1+s19+$0x0] =	vst.idx.add.f32.msk $0xffff, v0  }
0x48: {  	v1 =	vld [tilespmem:$0x140];
	_ =	sdelay $0x7  }
0x49: {  	[tilespmem:v1+s19+$0x0] =	vst.idx.add.f32.msk $0xffff, v0  }
0x4a: {  	v1 =	vld [tilespmem:$0x150];
	_ =	sdelay $0x7  }
0x4b: {  	[tilespmem:v1+s19+$0x0] =	vst.idx.add.f32.msk $0xffff, v0  }
0x4c: {  	v1 =	vld [tilespmem:$0x160];
	_ =	sdelay $0x7  }
0x4d: {  	[tilespmem:v1+s19+$0x0] =	vst.idx.add.f32.msk $0xffff, v0  }
0x4e: {  	v1 =	vld [tilespmem:$0x170];
	_ =	sdelay $0x6  }
0x4f: {  	p0 =	seq.s32 s4, $0x260  }
0x50: {  	s5 =	sadd.s32 @!p0 s4, s15;
	s6 =	simm.s32 @!p0 $0x0;
	[tilespmem:v1+s19+$0x0] =	vst.idx.add.f32.msk $0xffff, v0  }
0x51: {  	[tilespmem:s6], [sflag:$0x3] =	stream.linear.gather @!p0 [hbm4b:s5+s6], $0x80, $0x38;
	[tilespmem:$0x18B80] =	vst v63  }
0x52: {  	s5 =	simm.s32 @!p0 $0x3  }
0x53: {  	_ =	swait.ge @!p0 [sflag:s5], $0x80  }
0x54: {  	[sflag:s5] =	ssyncset.done @!p0 $0x0  }
0x55: {  	s7 =	simm.s32 @!p0 $0x100;
	s30 =	sadd.s32 @!p0 s4, s14;
	[sflag:s5] =	ssyncadd.s32 @!p0 $0xFFFFFF80  }
0x56: {  	[tilespmem:s7], [sflag:$0x3] =	stream.linear.gather @!p0 [hbm4b:s30+s6], $0x80, $0x38;
	[tilespmem:$0x18B80] =	vst v63  }
0x57: {  	_ =	swait.ge @!p0 [sflag:s5], $0x80  }
0x58: {  	[sflag:s5] =	ssyncset.done @!p0 $0x0  }
0x59: {  	s7 =	simm.s32 @!p0 $0x200;
	[sflag:s5] =	ssyncadd.s32 @!p0 $0xFFFFFF80;
	s5 =	simm.s32 @!p0 $0x80  }
0x5a: {  	[tilespmem:s7], [sflag:$0x1] =	stream.indirect.gather @!p0 [hbm4b:s3+s5], $0x80, s6, s5, $0xb8;
	[tilespmem:$0x18B80] =	vst v63  }
0x5b: {  	_ =	swait.ge [sflag:s29], $0x4000  }
0x5c: {  	[sflag:s29] =	ssyncset.done $0x0  }
0x5d: {  	[sflag:s29] =	ssyncadd.s32 $0xFFFFC000  }
0x5e: {  	[spmem:s1] =	stream.indirect.scatter.add.f32 [tilespmem:s26], [sflag:$0x3], $0x80, s25, s21, $0xb8;
	[tilespmem:$0x18B80] =	vst v63  }
0x5f: {  	_ =	swait.ge [sflag:s18], $0x4000  }
0x60: {  	[sflag:s18] =	ssyncset.done $0x0  }
0x61: {  	[sflag:s18] =	ssyncadd.s32 $0xFFFFC000  }
0x62: {  	v1 =	vld [tilespmem:$0x180];
	_ =	sdelay $0x7  }
0x63: {  	[tilespmem:v1+s19+$0x0] =	vst.idx.add.f32.msk $0xffff, v0  }
0x64: {  	v1 =	vld [tilespmem:$0x190];
	_ =	sdelay $0x7  }
0x65: {  	[tilespmem:v1+s19+$0x0] =	vst.idx.add.f32.msk $0xffff, v0  }
0x66: {  	v1 =	vld [tilespmem:$0x1A0];
	_ =	sdelay $0x7  }
0x67: {  	[tilespmem:v1+s19+$0x0] =	vst.idx.add.f32.msk $0xffff, v0  }
0x68: {  	v1 =	vld [tilespmem:$0x1B0];
	_ =	sdelay $0x7  }
0x69: {  	[tilespmem:v1+s19+$0x0] =	vst.idx.add.f32.msk $0xffff, v0  }
0x6a: {  	v1 =	vld [tilespmem:$0x1C0];
	_ =	sdelay $0x7  }
0x6b: {  	[tilespmem:v1+s19+$0x0] =	vst.idx.add.f32.msk $0xffff, v0  }
0x6c: {  	v1 =	vld [tilespmem:$0x1D0];
	_ =	sdelay $0x7  }
0x6d: {  	[tilespmem:v1+s19+$0x0] =	vst.idx.add.f32.msk $0xffff, v0  }
0x6e: {  	v1 =	vld [tilespmem:$0x1E0];
	_ =	sdelay $0x7  }
0x6f: {  	[tilespmem:v1+s19+$0x0] =	vst.idx.add.f32.msk $0xffff, v0  }
0x70: {  	v1 =	vld [tilespmem:$0x1F0];
	_ =	sdelay $0x1  }
0x71: {  	s4 =	sadd.s32 $0x20, s4  }
0x72: {  	p0 =	sne.s32 s4, $0x280  }
.Ltmp0:
0x73: {  	_ = 	snop;
	(pc) =	sbr.rel @p0 .LBB2_2-.Ltmp0, $2  }
0x74: {  	_ =	sdelay $0x2  }
0x75: {  	[tilespmem:v1+s19+$0x0] =	vst.idx.add.f32.msk $0xffff, v0  }
0x76: {  	s4 =	simm.s32 $0x400  }
0x77: {  	[spmem:s11] =	stream.strided.scatter [tilespmem:s19], [sflag:$0x3], $0x1800, s4, s21, $0x38;
	[tilespmem:$0x18B80] =	vst v63  }
0x78: {  	_ =	swait.ge [sflag:s18], $0x1800  }
0x79: {  	[sflag:s18] =	ssyncset.done $0x0  }
0x7a: {  	s7 =	simm.s32 $0xC00;
	[sflag:s18] =	ssyncadd.s32 $0xFFFFE800  }
0x7b: {  	s5 =	simm.s32 $0xC000;
	s6 =	simm.s32 $0x9A00;
	[bflag:$0x0] =	sbarrier.arrive $0xFFFF  }
0x7c: {  	[tilespmem:s6], [sflag:$0x3] =	stream.strided.gather [spmem:s12], $0x1800, s5, s7, $0x38;
	[tilespmem:$0x18B80] =	vst v63  }
0x7d: {  	s5 =	simm.s32 $0x0;
	_ =	swait.ge [sflag:s18], $0x1800  }
0x7e: {  	s6 =	sand.u32 $0x70, s5;
	s4 =	sand.u32 $0xC00, s5;
	[sflag:s18] =	ssyncset.done $0x0  }
0x7f: {  	s4 =	sor.u32 s6, s4;
	[sflag:s18] =	ssyncadd.s32 $0xFFFFE800  }
0x80: {  	v1 =	vld [tilespmem:s4+$0x9A80]  }
0x81: {  	v2 =	vld [tilespmem:s4+$0x9A00];
	_ =	sdelay $0x1  }
0x82: {  	v3 =	vld [tilespmem:s4+$0x9B00];
	_ =	sdelay $0x1  }
0x83: {  	v4 =	vld [tilespmem:s4+$0x9B80]  }
0x84: {  	v1 =	vadd.f32 v1, v2  }
0x85: {  	v2 =	vld [tilespmem:s4+$0x9C00]  }
0x86: {  	v1 =	vadd.f32 v3, v1  }
0x87: {  	v3 =	vld [tilespmem:s4+$0x9C80]  }
0x88: {  	v1 =	vadd.f32 v4, v1  }
0x89: {  	v60 =	vld [tilespmem:s4+$0x9D00]  }
0x8a: {  	v1 =	vadd.f32 v2, v1  }
0x8b: {  	v2 =	vld [tilespmem:s4+$0x9D80]  }
0x8c: {  	v1 =	vadd.f32 v3, v1  }
0x8d: {  	v3 =	vld [tilespmem:s4+$0xA600]  }
0x8e: {  	v1 =	vadd.f32 v60, v1  }
0x8f: {  	v61 =	vld [tilespmem:s4+$0xA680]  }
0x90: {  	v1 =	vadd.f32 v2, v1  }
0x91: {  	v2 =	vld [tilespmem:s4+$0xA700]  }
0x92: {  	v1 =	vadd.f32 v3, v1  }
0x93: {  	v3 =	vld [tilespmem:s4+$0xA780]  }
0x94: {  	v1 =	vadd.f32 v61, v1  }
0x95: {  	v62 =	vld [tilespmem:s4+$0xA800]  }
0x96: {  	v1 =	vadd.f32 v2, v1  }
0x97: {  	v2 =	vld [tilespmem:s4+$0xA880]  }
0x98: {  	v1 =	vadd.f32 v3, v1  }
0x99: {  	v3 =	vld [tilespmem:s4+$0xA900]  }
0x9a: {  	v1 =	vadd.f32 v62, v1  }
0x9b: {  	v63 =	vld [tilespmem:s4+$0xA980]  }
0x9c: {  	v1 =	vadd.f32 v2, v1;
	_ =	sdelay $0x1  }
0x9d: {  	v1 =	vadd.f32 v3, v1;
	_ =	sdelay $0x1  }
0x9e: {  	s7 =	simm.s32 $0x10;
	s5 =	simm.s32 $0x80;
	v1 =	vadd.f32 v63, v1  }
0x9f: {  	s6 =	sand.u32 $0x70, s7;
	s7 =	sand.u32 $0xC00, s5;
	s4 =	simm.s32 $0xB200  }
0xa0: {  	s30 =	sor.u32 s6, s7;
	s6 =	simm.s32 $0x20;
	[tilespmem:s4+$0x0] =	vst v1  }
.LBB2_4:
0xa1: {  	p0 =	sne.s32 s6, $0x170;
	v1 =	vld [tilespmem:s30+$0x9A80]  }
0xa2: {  	v2 =	vld [tilespmem:s30+$0x9A00];
	_ =	sdelay $0x1  }
0xa3: {  	v3 =	vld [tilespmem:s30+$0x9B00];
	_ =	sdelay $0x1  }
0xa4: {  	v4 =	vld [tilespmem:s30+$0x9B80]  }
0xa5: {  	v1 =	vadd.f32 v1, v2  }
0xa6: {  	v2 =	vld [tilespmem:s30+$0x9C00]  }
0xa7: {  	v1 =	vadd.f32 v3, v1  }
0xa8: {  	v3 =	vld [tilespmem:s30+$0x9C80]  }
0xa9: {  	v1 =	vadd.f32 v4, v1  }
0xaa: {  	v4 =	vld [tilespmem:s30+$0x9D00]  }
0xab: {  	v1 =	vadd.f32 v2, v1  }
0xac: {  	v2 =	vld [tilespmem:s30+$0x9D80]  }
0xad: {  	v1 =	vadd.f32 v3, v1  }
0xae: {  	v3 =	vld [tilespmem:s30+$0xA600]  }
0xaf: {  	v1 =	vadd.f32 v4, v1  }
0xb0: {  	v4 =	vld [tilespmem:s30+$0xA680]  }
0xb1: {  	v1 =	vadd.f32 v2, v1  }
0xb2: {  	v2 =	vld [tilespmem:s30+$0xA700]  }
0xb3: {  	v1 =	vadd.f32 v3, v1  }
0xb4: {  	v3 =	vld [tilespmem:s30+$0xA780]  }
0xb5: {  	v1 =	vadd.f32 v4, v1  }
0xb6: {  	v4 =	vld [tilespmem:s30+$0xA800]  }
0xb7: {  	v1 =	vadd.f32 v2, v1  }
0xb8: {  	v2 =	vld [tilespmem:s30+$0xA880]  }
0xb9: {  	v1 =	vadd.f32 v3, v1  }
0xba: {  	v3 =	vld [tilespmem:s30+$0xA900]  }
0xbb: {  	v1 =	vadd.f32 v4, v1  }
0xbc: {  	v4 =	vld [tilespmem:s30+$0xA980]  }
0xbd: {  	v1 =	vadd.f32 v2, v1;
	_ =	sdelay $0x1  }
.Ltmp1:
0xbe: {  	v1 =	vadd.f32 v3, v1;
	(pc) =	sbr.rel @p0 .LBB2_4-.Ltmp1, $4  }
0xbf: {  	_ = 	snop  }
0xc0: {  	s5 =	sadd.s32 $0x80, s5;
	v1 =	vadd.f32 v4, v1  }
0xc1: {  	s7 =	sand.u32 $0x70, s6;
	s4 =	sadd.s32 $0x10, s4;
	s30 =	sand.u32 $0xC00, s5  }
0xc2: {  	s6 =	sadd.s32 $0x10, s6;
	s30 =	sor.u32 s7, s30;
	[tilespmem:s4+$0x0] =	vst v1  }
0xc3: {  	v1 =	vld [tilespmem:s30+$0x9A80]  }
0xc4: {  	v2 =	vld [tilespmem:s30+$0x9A00];
	_ =	sdelay $0x1  }
0xc5: {  	v3 =	vld [tilespmem:s30+$0x9B00];
	_ =	sdelay $0x1  }
0xc6: {  	v4 =	vld [tilespmem:s30+$0x9B80]  }
0xc7: {  	v1 =	vadd.f32 v1, v2  }
0xc8: {  	v2 =	vld [tilespmem:s30+$0x9C00]  }
0xc9: {  	v1 =	vadd.f32 v3, v1  }
0xca: {  	v3 =	vld [tilespmem:s30+$0x9C80]  }
0xcb: {  	v1 =	vadd.f32 v4, v1  }
0xcc: {  	v60 =	vld [tilespmem:s30+$0x9D00]  }
0xcd: {  	v1 =	vadd.f32 v2, v1  }
0xce: {  	v2 =	vld [tilespmem:s30+$0x9D80]  }
0xcf: {  	v1 =	vadd.f32 v3, v1  }
0xd0: {  	v3 =	vld [tilespmem:s30+$0xA600]  }
0xd1: {  	v1 =	vadd.f32 v60, v1  }
0xd2: {  	v61 =	vld [tilespmem:s30+$0xA680]  }
0xd3: {  	v1 =	vadd.f32 v2, v1  }
0xd4: {  	v2 =	vld [tilespmem:s30+$0xA700]  }
0xd5: {  	v1 =	vadd.f32 v3, v1  }
0xd6: {  	v3 =	vld [tilespmem:s30+$0xA780]  }
0xd7: {  	v1 =	vadd.f32 v61, v1  }
0xd8: {  	v62 =	vld [tilespmem:s30+$0xA800]  }
0xd9: {  	v1 =	vadd.f32 v2, v1  }
0xda: {  	v2 =	vld [tilespmem:s30+$0xA880]  }
0xdb: {  	v1 =	vadd.f32 v3, v1  }
0xdc: {  	v3 =	vld [tilespmem:s30+$0xA900]  }
0xdd: {  	v1 =	vadd.f32 v62, v1  }
0xde: {  	v63 =	vld [tilespmem:s30+$0xA980]  }
0xdf: {  	v1 =	vadd.f32 v2, v1;
	_ =	sdelay $0x1  }
0xe0: {  	v1 =	vadd.f32 v3, v1;
	_ =	sdelay $0x1  }
0xe1: {  	v1 =	vadd.f32 v63, v1  }
0xe2: {  	s4 =	sadd.s32 $0x10, s4  }
0xe3: {  	[tilespmem:s4+$0x0] =	vst v1  }
0xe4: {  	[hbm:s22], [sflag:s8] =	dma.local [spmem:s0], $0x1800  }
0xe5: {  	s31 =	sadd.s32 $0x1, s31;
	_ =	swait.ge [sflag:s18], $0x1800  }
0xe6: {  	p0 =	sne.s32 s31, s13;
	[sflag:s18] =	ssyncset.done $0x0  }
.Ltmp2:
0xe7: {  	s30 =	simm.s32 $0xB200;
	[sflag:s18] =	ssyncadd.s32 $0xFFFFE800;
	(pc) =	sbr.rel @p0 .LBB2_1-.Ltmp2, $4  }
0xe8: {  	[hbm4b:s24+s21] =	stream.strided.scatter [tilespmem:s30], [sflag:$0x3], $0x180, s20, s21, $0x38;
	[tilespmem:$0x18B80] =	vst v63  }
0xe9: {  	_ =	swait.ge [sflag:s18], $0x180  }
0xea: {  	[sflag:s18] =	ssyncset.done $0x0  }
0xeb: {  	[sflag:s18] =	ssyncadd.s32 $0xFFFFFE80  }
0xec: {  	_ =	sfence.sel $0x180000  }
0xed: {  	[bflag:$0x0] =	sbarrier.arrive $0xFFFF  }
0xee: {  	_ =	strace $0x90000047  }
0xef: {  	s0 =	stileid.u32;
	[bflag:$0x2] =	sbarrier.arrive $0xFFFF  }
0xf0: {  	p0 =	sne.s32 s0, $0x0;
	s0 =	rddreg [dreg:$0x3]  }
0xf1: {  	s0 =	sadd.s32 @!p0 $0x100000, s0  }
0xf2: {  	[sflag:s0] =	ssyncadd.tile.s32 @!p0 $0x1;
	_ =	shalt  }
.Lfunc_end2:
_tile_overlayer_lowered:
.L_overlay_start_2:
0xf3: {  	(tag) =	ssettag $0x2  }
0xf4: {  	s0 =	rddreg [dreg:$0x0];
	s2 =	stileid.u32  }
0xf5: {  	s1 =	rddreg [dreg:$0x1];
	p0 =	sne.s32 s2, $0x0  }
0xf6: {  	s3 =	rddreg [dreg:$0x2];
	[bflag:$0x3] =	sbarrier.arrive $0xFFFF;
	s2 =	simm.s32 @!p0 $0x1C03  }
0xf7: {  	[timem:s3], [sflag:s2] =	dma.local @!p0 [hbm:s0], s1  }
0xf8: {  	s0 =	simm.s32 @!p0 $0x3  }
0xf9: {  	_ =	swait.ge @!p0 [sflag:s0], s1  }
0xfa: {  	s1 =	ssub.s32 @!p0 $0x0, s1;
	[sflag:s0] =	ssyncset.done @!p0 $0x0  }
0xfb: {  	[sflag:s0] =	ssyncadd.s32 @!p0 s1  }
0xfc: {  	[bflag:$0x3] =	sbarrier.arrive $0xFFFF  }
0xfd: {  	_ =	shalt  }

</sc_bundles>
